<compile_context>
chip_gen: v7x
topology: tpu7x:2x2x1
jax: 0.10.2.dev20260603
libtpu: 0.0.44.dev20260713+nightly
codegen_flags: <defaults>
</compile_context>

<pallas_src>
import functools

import jax
import jax.numpy as jnp
from jax import lax
from jax.experimental import pallas as pl
from jax.experimental.pallas import tpu as pltpu
from jax.experimental.pallas import tpu_sc as plsc

_N = 10000
_E = 320000
_D = 128
_C = 64
_TDIM = 16
_MSG = 16

_HIGH = lax.Precision.HIGHEST

_TA = 160
_TD = 192
_EBW = 48
_WW = 32
_R1 = 80
_R2 = 128

_NW = 32
_PERW = _E // _NW
_B = 80
_NCH = _PERW // _B
_ZB = 80


def _p1_body(x_ref, lu_ref, wq, wk, wv, ws, bq, bk, bv, bs, wt, weblk,
             ta_o, tv_o, td_o, skip_o):
    xb = x_ref[...]
    dn = (((1,), (1,)), ((), ()))
    k = lax.dot_general(xb, wk[...], dn, precision=_HIGH) + bk[...]
    tv_o[...] = lax.dot_general(xb, wv[...], dn, precision=_HIGH) + bv[...]
    qh = (lax.dot_general(xb, wq[...], dn, precision=_HIGH) + bq[...]) * 0.125
    skip_o[...] = lax.dot_general(xb, ws[...], dn, precision=_HIGH) + bs[...]
    dn2 = (((1,), (0,)), ((), ()))
    qe = lax.dot_general(qh, weblk[...], dn2, precision=_HIGH)
    ang = lu_ref[...] * wt[...]
    ta_o[...] = jnp.concatenate([k, jnp.cos(ang), jnp.sin(ang)], axis=1)
    td_o[...] = jnp.concatenate([qh, qe], axis=1)


def _p1(x, lu, Wq, Wk, Wv, Ws, bq, bk, bv, bs, Wt, Weblk):
    nb = 5
    rb = _N // nb
    wspec = pl.BlockSpec((_D, _D), lambda i: (0, 0))
    bspec = pl.BlockSpec((1, _D), lambda i: (0, 0))
    return pl.pallas_call(
        _p1_body,
        grid=(nb,),
        in_specs=[
            pl.BlockSpec((rb, _D), lambda i: (i, 0)),
            pl.BlockSpec((rb, 1), lambda i: (i, 0)),
            wspec, wspec, wspec, wspec,
            bspec, bspec, bspec, bspec,
            pl.BlockSpec((1, _TDIM), lambda i: (0, 0)),
            pl.BlockSpec((_D, _C), lambda i: (0, 0)),
        ],
        out_specs=[
            pl.BlockSpec((rb, _TA), lambda i: (i, 0)),
            pl.BlockSpec((rb, _D), lambda i: (i, 0)),
            pl.BlockSpec((rb, _TD), lambda i: (i, 0)),
            pl.BlockSpec((rb, _D), lambda i: (i, 0)),
        ],
        out_shape=[
            jax.ShapeDtypeStruct((_N, _TA), jnp.float32),
            jax.ShapeDtypeStruct((_N, _D), jnp.float32),
            jax.ShapeDtypeStruct((_N, _TD), jnp.float32),
            jax.ShapeDtypeStruct((_N, _D), jnp.float32),
        ],
    )(x, lu, Wq, Wk, Wv, Ws, bq.reshape(1, _D), bk.reshape(1, _D),
      bv.reshape(1, _D), bs.reshape(1, _D), Wt.reshape(1, _TDIM), Weblk)


def _pc_body(t_ref, msg_ref, wt, bt, e_o):
    ang = t_ref[...] * wt[...] + bt[...]
    e_o[...] = jnp.concatenate([jnp.cos(ang), jnp.sin(ang), msg_ref[...]],
                               axis=1)


def _pc(t, msg, Wt, bt):
    eb = 4000
    nb = _E // eb
    return pl.pallas_call(
        _pc_body,
        grid=(nb,),
        in_specs=[
            pl.BlockSpec((eb, 1), lambda i: (i, 0)),
            pl.BlockSpec((eb, _MSG), lambda i: (i, 0)),
            pl.BlockSpec((1, _TDIM), lambda i: (0, 0)),
            pl.BlockSpec((1, _TDIM), lambda i: (0, 0)),
        ],
        out_specs=pl.BlockSpec((eb, _EBW), lambda i: (i, 0)),
        out_shape=jax.ShapeDtypeStruct((_E, _EBW), jnp.float32),
    )(t.reshape(_E, 1), msg, Wt.reshape(1, _TDIM), bt.reshape(1, _TDIM))


_MESH = plsc.VectorSubcoreMesh(core_axis_name="c", subcore_axis_name="s",
                               num_cores=2, num_subcores=16)
_SC_PARAMS = pltpu.CompilerParams(needs_layout_passes=False,
                                  use_tc_tiling_on_sc=False)


def _zero_acc(sid, acc_sp, zb, row):
    zv = jnp.zeros((16,), jnp.float32)

    def zrow(i, carry):
        for kk in range(row // 16):
            zb[i, pl.ds(kk * 16, 16)] = zv
        return carry

    lax.fori_loop(0, _ZB, zrow, 0)

    def zcp(i, carry):
        b = sid + i * 16

        @pl.when(b < _N // _ZB)
        def _():
            pltpu.sync_copy(zb, acc_sp.at[pl.ds(b * _ZB, _ZB)])

        return carry

    lax.fori_loop(0, (_N // _ZB + 15) // 16, zcp, 0)


def _dump_acc(cid, sid, acc_sp, acc_hbm):
    def dump(i, carry):
        b = sid + i * 16

        @pl.when(b < _N // _ZB)
        def _():
            pltpu.sync_copy(acc_sp.at[pl.ds(b * _ZB, _ZB)],
                            acc_hbm.at[cid, pl.ds(b * _ZB, _ZB)])

        return carry

    lax.fori_loop(0, (_N // _ZB + 15) // 16, dump, 0)


@functools.partial(
    pl.kernel,
    out_type=[
        jax.ShapeDtypeStruct((2, _N, _R1), jnp.float32),
        jax.ShapeDtypeStruct((_E, _WW), jnp.float32),
    ],
    mesh=_MESH,
    scratch_types=[
        pltpu.VMEM_SHARED((_N, _R1), jnp.float32),
        pltpu.VMEM((_B,), jnp.int32),
        pltpu.VMEM((_B,), jnp.int32),
        pltpu.VMEM((_B, _TA), jnp.float32),
        pltpu.VMEM((_B, _TD), jnp.float32),
        pltpu.VMEM((_B, _EBW), jnp.float32),
        pltpu.VMEM((_B, _R1), jnp.float32),
        pltpu.VMEM((_B, _WW), jnp.float32),
        pltpu.VMEM((_ZB, _R1), jnp.float32),
        pltpu.SemaphoreType.DMA,
    ],
    compiler_params=_SC_PARAMS,
)
def _pd1(ta_hbm, td_hbm, eb_hbm, src_hbm, dst_hbm, acc_hbm, w_hbm,
         acc_sp, srcb, dstb, tab, tdb, ebb, outb, outw, zb, sem):
    cid = lax.axis_index("c")
    sid = lax.axis_index("s")
    wid = sid * 2 + cid
    lane = lax.iota(jnp.int32, 16)
    zv = jnp.zeros((16,), jnp.float32)

    _zero_acc(sid, acc_sp, zb, _R1)
    plsc.subcore_barrier()

    def chunk(g, carry):
        base = wid * _PERW + g * _B
        pltpu.sync_copy(src_hbm.at[pl.ds(base, _B)], srcb)
        pltpu.sync_copy(dst_hbm.at[pl.ds(base, _B)], dstb)
        c1 = pltpu.async_copy(ta_hbm.at[srcb], tab, sem)
        c2 = pltpu.async_copy(td_hbm.at[dstb], tdb, sem)
        c3 = pltpu.async_copy(eb_hbm.at[pl.ds(base, _B)], ebb, sem)
        c1.wait()
        c2.wait()
        c3.wait()

        def edge(j, carry2):
            ca = ebb[j, pl.ds(0, 16)]
            sa = ebb[j, pl.ds(16, 16)]
            ms = ebb[j, pl.ds(32, 16)]
            enc = ca * tab[j, pl.ds(128, 16)] + sa * tab[j, pl.ds(144, 16)]
            acc0 = tdb[j, pl.ds(128, 16)] * enc + tdb[j, pl.ds(144, 16)] * ms
            for kk in range(4):
                acc0 += (tdb[j, pl.ds(kk * 16, 16)]
                         * tab[j, pl.ds(kk * 16, 16)])
            acc1 = tdb[j, pl.ds(160, 16)] * enc + tdb[j, pl.ds(176, 16)] * ms
            for kk in range(4, 8):
                acc1 += (tdb[j, pl.ds(kk * 16, 16)]
                         * tab[j, pl.ds(kk * 16, 16)])
            w0 = jnp.exp(jnp.full((16,), jnp.sum(acc0), jnp.float32))
            w1 = jnp.exp(jnp.full((16,), jnp.sum(acc1), jnp.float32))
            outb[j, pl.ds(0, 16)] = enc * w0
            outb[j, pl.ds(16, 16)] = ms * w0
            outb[j, pl.ds(32, 16)] = enc * w1
            outb[j, pl.ds(48, 16)] = ms * w1
            dv = jnp.where(lane == 0, w0, jnp.where(lane == 1, w1, zv))
            outb[j, pl.ds(64, 16)] = dv
            outw[j, pl.ds(0, 16)] = w0
            outw[j, pl.ds(16, 16)] = w1
            return carry2

        plsc.parallel_loop(0, _B, 1, unroll=4, carry=jnp.int32(0))(edge)
        pltpu.sync_copy(outb, acc_sp.at[dstb], add=True)
        pltpu.sync_copy(outw, w_hbm.at[pl.ds(base, _B)])
        return carry

    lax.fori_loop(0, _NCH, chunk, 0)
    plsc.subcore_barrier()
    _dump_acc(cid, sid, acc_sp, acc_hbm)


@functools.partial(
    pl.kernel,
    out_type=jax.ShapeDtypeStruct((2, _N, _R2), jnp.float32),
    mesh=_MESH,
    scratch_types=[
        pltpu.VMEM_SHARED((_N, _R2), jnp.float32),
        pltpu.VMEM((_B,), jnp.int32),
        pltpu.VMEM((_B,), jnp.int32),
        pltpu.VMEM((_B, _R2), jnp.float32),
        pltpu.VMEM((_B, _WW), jnp.float32),
        pltpu.VMEM((_B, _R2), jnp.float32),
        pltpu.VMEM((_ZB, _R2), jnp.float32),
        pltpu.SemaphoreType.DMA,
    ],
    compiler_params=_SC_PARAMS,
)
def _pd2(tv_hbm, w_hbm, src_hbm, dst_hbm, acc_hbm,
         acc_sp, srcb, dstb, tvb, wb, outb, zb, sem):
    cid = lax.axis_index("c")
    sid = lax.axis_index("s")
    wid = sid * 2 + cid

    _zero_acc(sid, acc_sp, zb, _R2)
    plsc.subcore_barrier()

    def chunk(g, carry):
        base = wid * _PERW + g * _B
        pltpu.sync_copy(src_hbm.at[pl.ds(base, _B)], srcb)
        pltpu.sync_copy(dst_hbm.at[pl.ds(base, _B)], dstb)
        c1 = pltpu.async_copy(tv_hbm.at[srcb], tvb, sem)
        c2 = pltpu.async_copy(w_hbm.at[pl.ds(base, _B)], wb, sem)
        c1.wait()
        c2.wait()

        def edge(j, carry2):
            w0 = wb[j, pl.ds(0, 16)]
            w1 = wb[j, pl.ds(16, 16)]
            for kk in range(4):
                outb[j, pl.ds(kk * 16, 16)] = tvb[j, pl.ds(kk * 16, 16)] * w0
            for kk in range(4, 8):
                outb[j, pl.ds(kk * 16, 16)] = tvb[j, pl.ds(kk * 16, 16)] * w1
            return carry2

        plsc.parallel_loop(0, _B, 1, unroll=8, carry=jnp.int32(0))(edge)
        pltpu.sync_copy(outb, acc_sp.at[dstb], add=True)
        return carry

    lax.fori_loop(0, _NCH, chunk, 0)
    plsc.subcore_barrier()
    _dump_acc(cid, sid, acc_sp, acc_hbm)


def _pe_body(a1_ref, a2_ref, skip_ref, we0, we1, out_ref):
    m1 = a1_ref[0] + a1_ref[1]
    m2 = a2_ref[0] + a2_ref[1]
    dn = (((1,), (0,)), ((), ()))
    e0 = lax.dot_general(m1[:, :2 * _TDIM], we0[...], dn, precision=_HIGH)
    e1 = lax.dot_general(m1[:, 2 * _TDIM:4 * _TDIM], we1[...], dn,
                         precision=_HIGH)
    d0 = m1[:, 64:65] + 1e-16
    d1 = m1[:, 65:66] + 1e-16
    out_ref[...] = jnp.concatenate(
        [(m2[:, :_C] + e0) / d0, (m2[:, _C:] + e1) / d1],
        axis=1) + skip_ref[...]


def _pe(acc1, acc2, skip, We):
    nb = 5
    rb = _N // nb
    return pl.pallas_call(
        _pe_body,
        grid=(nb,),
        in_specs=[
            pl.BlockSpec((2, rb, _R1), lambda i: (0, i, 0)),
            pl.BlockSpec((2, rb, _R2), lambda i: (0, i, 0)),
            pl.BlockSpec((rb, _D), lambda i: (i, 0)),
            pl.BlockSpec((2 * _TDIM, _C), lambda i: (0, 0)),
            pl.BlockSpec((2 * _TDIM, _C), lambda i: (0, 0)),
        ],
        out_specs=pl.BlockSpec((rb, _D), lambda i: (i, 0)),
        out_shape=jax.ShapeDtypeStruct((_N, _D), jnp.float32),
    )(acc1, acc2, skip, We[:_C].T, We[_C:].T)


def kernel(x, last_update, edge_index, t, msg, Wt, bt,
           Wq, bq, Wk, bk, Wv, bv, We, Ws, bs):
    src = edge_index[0]
    dst = edge_index[1]
    Weblk = jnp.zeros((_D, _C), jnp.float32)
    Weblk = Weblk.at[:_C, :2 * _TDIM].set(We[:_C])
    Weblk = Weblk.at[_C:, 2 * _TDIM:].set(We[_C:])
    ta, tv, td, skip = _p1(x, last_update.reshape(_N, 1),
                           Wq, Wk, Wv, Ws, bq, bk, bv, bs, Wt, Weblk)
    ebuf = _pc(t, msg, Wt, bt)
    acc1, wbuf = _pd1(ta, td, ebuf, src, dst)
    acc2 = _pd2(tv, wbuf, src, dst)
    return _pe(acc1, acc2, skip, We)

# --- scband reference (transcript-rebuilt; emitter-appended) ---
"""Pipeline reference for scband-hetero-graph-attention-embedding-52819507806816 (READ-ONLY COPY).

The authoritative reference and input builder live on the scoring server;
editing this copy changes nothing except your own understanding.
"""

import jax, jax.numpy as jnp
import numpy as np
import math

N = 10000
E = 320000
D_IN = 128
C = 64   # out_channels per head
H = 2    # heads
HC = H * C
MSG = 16
TDIM = 16
EDGE_DIM = MSG + TDIM
MEAN_DT = 0.0
STD_DT = 1.0


def setup_inputs(seed: int = 0) -> dict:
    key = jax.random.key(seed)
    ks = jax.random.split(key, 16)
    x = jax.random.normal(ks[0], (N, D_IN), dtype=jnp.float32)
    last_update = jax.random.uniform(ks[1], (N,), dtype=jnp.float32)
    edge_index = jax.random.randint(ks[2], (2, E), 0, N, dtype=jnp.int32)
    t = jax.random.uniform(ks[3], (E,), dtype=jnp.float32)
    msg = jax.random.normal(ks[4], (E, MSG), dtype=jnp.float32) * 0.1
    # TimeEncoder params: Linear(1, TDIM) followed by cos
    Wt = jax.random.normal(ks[5], (TDIM,), dtype=jnp.float32)
    bt = jnp.zeros((TDIM,), dtype=jnp.float32)
    s_in = 1.0 / math.sqrt(D_IN)
    s_e = 1.0 / math.sqrt(EDGE_DIM)
    Wq = jax.random.uniform(ks[6], (HC, D_IN), jnp.float32, -s_in, s_in)
    bq = jnp.zeros((HC,), dtype=jnp.float32)
    Wk = jax.random.uniform(ks[7], (HC, D_IN), jnp.float32, -s_in, s_in)
    bk = jnp.zeros((HC,), dtype=jnp.float32)
    Wv = jax.random.uniform(ks[8], (HC, D_IN), jnp.float32, -s_in, s_in)
    bv = jnp.zeros((HC,), dtype=jnp.float32)
    We = jax.random.uniform(ks[9], (HC, EDGE_DIM), jnp.float32, -s_e, s_e)
    Ws = jax.random.uniform(ks[10], (HC, D_IN), jnp.float32, -s_in, s_in)
    bs = jnp.zeros((HC,), dtype=jnp.float32)
    return {"x": x, "last_update": last_update, "edge_index": edge_index, "t": t,
            "msg": msg, "Wt": Wt, "bt": bt, "Wq": Wq, "bq": bq, "Wk": Wk, "bk": bk,
            "Wv": Wv, "bv": bv, "We": We, "Ws": Ws, "bs": bs}


def reference(x, last_update, edge_index, t, msg, Wt, bt, Wq, bq, Wk, bk, Wv, bv, We, Ws, bs):
    src = edge_index[0]
    dst = edge_index[1]
    # relative time + TimeEncoder (cos of linear projection), as in TGN
    rel_t = (t - last_update[src] - MEAN_DT) / STD_DT
    rel_t_enc = jnp.cos(rel_t[:, None] * Wt[None, :] + bt[None, :])  # [E, TDIM]
    edge_attr = jnp.concatenate([rel_t_enc, msg], axis=-1)            # [E, EDGE_DIM]
    # TransformerConv (PyG): concat=True, root_weight=True, beta=False, eval (no dropout)
    q = (x @ Wq.T + bq).reshape(N, H, C)
    k = (x @ Wk.T + bk).reshape(N, H, C)
    v = (x @ Wv.T + bv).reshape(N, H, C)
    e = (edge_attr @ We.T).reshape(E, H, C)
    k_j = k[src] + e                                                  # [E, H, C]
    alpha = jnp.sum(q[dst] * k_j, axis=-1) / math.sqrt(C)             # [E, H]
    amax = jax.ops.segment_max(alpha, dst, num_segments=N)
    amax = jnp.where(jnp.isfinite(amax), amax, 0.0)
    ex = jnp.exp(alpha - amax[dst])
    denom = jax.ops.segment_sum(ex, dst, num_segments=N)
    attn = ex / (denom[dst] + 1e-16)                                  # [E, H]
    m = (v[src] + e) * attn[..., None]                                # [E, H, C]
    out = jax.ops.segment_sum(m, dst, num_segments=N).reshape(N, HC)
    out = out + x @ Ws.T + bs                                         # root/skip connection
    return out

if __name__ == "__main__":
    import jax
    _d = setup_inputs()
    print(jax.jit(kernel)(*tuple(_d.values())))

</pallas_src>

<mosaic_0001>
#map = affine_map<(d0, d1) -> (0, 0)>
#map1 = affine_map<(d0, d1) -> (0)>
#map2 = affine_map<(d0, d1) -> (0, 0, 0)>
module attributes {stable_mosaic.version = 14 : i64} {
  func.func @_pd1(%arg0: i32, %arg1: i32, %arg2: memref<10000x160xf32, #tpu.memory_space<hbm>>, %arg3: memref<10000x192xf32, #tpu.memory_space<hbm>>, %arg4: memref<320000x48xf32, #tpu.memory_space<hbm>>, %arg5: memref<320000xi32, #tpu.memory_space<hbm>>, %arg6: memref<320000xi32, #tpu.memory_space<hbm>>, %arg7: memref<2x10000x80xf32, #tpu.memory_space<hbm>>, %arg8: memref<320000x32xf32, #tpu.memory_space<hbm>>, %arg9: memref<10000x80xf32, #tpu.memory_space<vmem_shared>>, %arg10: memref<80xi32, #tpu.memory_space<vmem>>, %arg11: memref<80xi32, #tpu.memory_space<vmem>>, %arg12: memref<80x160xf32, #tpu.memory_space<vmem>>, %arg13: memref<80x192xf32, #tpu.memory_space<vmem>>, %arg14: memref<80x48xf32, #tpu.memory_space<vmem>>, %arg15: memref<80x80xf32, #tpu.memory_space<vmem>>, %arg16: memref<80x32xf32, #tpu.memory_space<vmem>>, %arg17: memref<80x80xf32, #tpu.memory_space<vmem>>, %arg18: memref<!tpu.dma_semaphore, #tpu.memory_space<semaphore_mem>>) attributes {dimension_semantics = [#tpu.dimension_semantics<core_parallel>, #tpu.dimension_semantics<subcore_parallel>], iteration_bounds = array<i64: 2, 16>, scalar_prefetch = 0 : i64, scratch_operands = 10 : i64, tpu.core_type = #tpu.core_type<sc_vector_subcore>, window_params = [{transform_indices = #map}, {transform_indices = #map}, {transform_indices = #map}, {transform_indices = #map1}, {transform_indices = #map1}, {transform_indices = #map2}, {transform_indices = #map}]} {
    %mul3A = arith.constant 2 : i32
    %mul3A_0 = arith.muli %arg1, %mul3A : i32
    %add3A = arith.addi %mul3A_0, %arg0 : i32
    %iota3A = tpu.iota {dimensions = array<i32: 0>} : vector<16xi32>
    %broadcast_in_dim3A = arith.constant 0.000000e+00 : f32
    %broadcast_in_dim3A_1 = vector.broadcast %broadcast_in_dim3A : f32 to vector<16xf32>
    %broadcast_in_dim3A_2 = arith.constant 0.000000e+00 : f32
    %broadcast_in_dim3A_3 = vector.broadcast %broadcast_in_dim3A_2 : f32 to vector<16xf32>
    %scan3A = arith.constant 0 : i32
    %scan3A_4 = arith.constant 0 : i32
    %scan3A_5 = arith.constant 80 : i32
    %scan3A_6 = arith.addi %scan3A_4, %scan3A_5 : i32
    %scan3A_7 = arith.constant 1 : i32
    scf.for %scan3A_28 = %scan3A_4 to %scan3A_6 step %scan3A_7  : i32 {
      %swap3A = arith.index_cast %scan3A_28 : i32 to index
      %swap3A_29 = arith.constant 0 : index
      %swap3A_30 = tpu.vector_load %arg17[%swap3A, %swap3A_29] {strides = array<i32>} : memref<80x80xf32, #tpu.memory_space<vmem>>, vector<16xf32>,
      tpu.vector_store %arg17[%swap3A, %swap3A_29], %broadcast_in_dim3A_3 {strides = array<i32>} : memref<80x80xf32, #tpu.memory_space<vmem>>, vector<16xf32>,
      %swap3A_31 = arith.index_cast %scan3A_28 : i32 to index
      %swap3A_32 = arith.constant 16 : index
      %swap3A_33 = tpu.vector_load %arg17[%swap3A_31, %swap3A_32] {strides = array<i32>} : memref<80x80xf32, #tpu.memory_space<vmem>>, vector<16xf32>,
      tpu.vector_store %arg17[%swap3A_31, %swap3A_32], %broadcast_in_dim3A_3 {strides = array<i32>} : memref<80x80xf32, #tpu.memory_space<vmem>>, vector<16xf32>,
      %swap3A_34 = arith.index_cast %scan3A_28 : i32 to index
      %swap3A_35 = arith.constant 32 : index
      %swap3A_36 = tpu.vector_load %arg17[%swap3A_34, %swap3A_35] {strides = array<i32>} : memref<80x80xf32, #tpu.memory_space<vmem>>, vector<16xf32>,
      tpu.vector_store %arg17[%swap3A_34, %swap3A_35], %broadcast_in_dim3A_3 {strides = array<i32>} : memref<80x80xf32, #tpu.memory_space<vmem>>, vector<16xf32>,
      %swap3A_37 = arith.index_cast %scan3A_28 : i32 to index
      %swap3A_38 = arith.constant 48 : index
      %swap3A_39 = tpu.vector_load %arg17[%swap3A_37, %swap3A_38] {strides = array<i32>} : memref<80x80xf32, #tpu.memory_space<vmem>>, vector<16xf32>,
      tpu.vector_store %arg17[%swap3A_37, %swap3A_38], %broadcast_in_dim3A_3 {strides = array<i32>} : memref<80x80xf32, #tpu.memory_space<vmem>>, vector<16xf32>,
      %swap3A_40 = arith.index_cast %scan3A_28 : i32 to index
      %swap3A_41 = arith.constant 64 : index
      %swap3A_42 = tpu.vector_load %arg17[%swap3A_40, %swap3A_41] {strides = array<i32>} : memref<80x80xf32, #tpu.memory_space<vmem>>, vector<16xf32>,
      tpu.vector_store %arg17[%swap3A_40, %swap3A_41], %broadcast_in_dim3A_3 {strides = array<i32>} : memref<80x80xf32, #tpu.memory_space<vmem>>, vector<16xf32>,
    }
    %scan3A_8 = arith.constant 80 : i32
    %scan3A_9 = arith.constant 0 : i32
    %scan3A_10 = arith.constant 0 : i32
    %scan3A_11 = arith.constant 8 : i32
    %scan3A_12 = arith.addi %scan3A_10, %scan3A_11 : i32
    %scan3A_13 = arith.constant 1 : i32
    scf.for %scan3A_28 = %scan3A_10 to %scan3A_12 step %scan3A_13  : i32 {
      %mul3A_29 = arith.constant 16 : i32
      %mul3A_30 = arith.muli %scan3A_28, %mul3A_29 : i32
      %add3A_31 = arith.addi %arg1, %mul3A_30 : i32
      %lt3A = arith.constant 125 : i32
      %lt3A_32 = arith.cmpi slt, %add3A_31, %lt3A : i32
      %convert_element_type3A = arith.extui %lt3A_32 : i1 to i32
      %cond3A = arith.constant 0 : i32
      %cond3A_33 = arith.cmpi ne, %convert_element_type3A, %cond3A : i32
      scf.if %cond3A_33 {
        %mul3A_34 = arith.constant 80 : i32
        %mul3A_35 = arith.muli %add3A_31, %mul3A_34 : i32
        "tpu.region"() ({
          %run_scoped3A = tpu.sem_alloc : memref<!tpu.dma_semaphore, #tpu.memory_space<semaphore_mem>>
          %dma_start3A = arith.constant 0 : i32
          %dma_start3A_36 = tpu.memref_slice %arg9[%mul3A_35, %dma_start3A] : memref<10000x80xf32, #tpu.memory_space<vmem_shared>> -> memref<80x80xf32, #tpu.memory_space<vmem_shared>>
          %dma_start3A_37 = arith.constant 0 : i32
          %dma_start3A_38 = tpu.memref_slice %arg9[%mul3A_35, %dma_start3A_37] : memref<10000x80xf32, #tpu.memory_space<vmem_shared>> -> memref<80x80xf32, #tpu.memory_space<vmem_shared>>
          tpu.enqueue_dma source(%arg17 : memref<80x80xf32, #tpu.memory_space<vmem>>) target(%dma_start3A_38 : memref<80x80xf32, #tpu.memory_space<vmem_shared>>) target_semaphore(%run_scoped3A : memref<!tpu.dma_semaphore, #tpu.memory_space<semaphore_mem>>)
          %dma_wait3A = arith.constant 0 : i32
          %dma_wait3A_39 = tpu.memref_slice %arg9[%mul3A_35, %dma_wait3A] : memref<10000x80xf32, #tpu.memory_space<vmem_shared>> -> memref<80x80xf32, #tpu.memory_space<vmem_shared>>
          %dma_wait3A_40 = arith.constant 0 : i32
          %dma_wait3A_41 = tpu.memref_slice %arg9[%mul3A_35, %dma_wait3A_40] : memref<10000x80xf32, #tpu.memory_space<vmem_shared>> -> memref<80x80xf32, #tpu.memory_space<vmem_shared>>
          tpu.wait_dma2 semaphore(%run_scoped3A : memref<!tpu.dma_semaphore, #tpu.memory_space<semaphore_mem>>) src(%arg17 : memref<80x80xf32, #tpu.memory_space<vmem>>) dst(%dma_wait3A_41 : memref<80x80xf32, #tpu.memory_space<vmem_shared>>)
          tpu.yield
        }) : () -> ()
      } else {
      }
    }
    %scan3A_14 = arith.constant 8 : i32
    %barrier3A = arith.constant 0 : index
    tpu.barrier barrier_id(%barrier3A)
    %scan3A_15 = arith.constant 0 : i32
    %scan3A_16 = arith.constant 0 : i32
    %scan3A_17 = arith.constant 125 : i32
    %scan3A_18 = arith.addi %scan3A_16, %scan3A_17 : i32
    %scan3A_19 = arith.constant 1 : i32
    scf.for %scan3A_28 = %scan3A_16 to %scan3A_18 step %scan3A_19  : i32 {
      %mul3A_29 = arith.constant 10000 : i32
      %mul3A_30 = arith.muli %add3A, %mul3A_29 : i32
      %mul3A_31 = arith.constant 80 : i32
      %mul3A_32 = arith.muli %scan3A_28, %mul3A_31 : i32
      %add3A_33 = arith.addi %mul3A_30, %mul3A_32 : i32
      "tpu.region"() ({
        %run_scoped3A = tpu.sem_alloc : memref<!tpu.dma_semaphore, #tpu.memory_space<semaphore_mem>>
        %dma_start3A_56 = tpu.memref_slice %arg5[%add3A_33] : memref<320000xi32, #tpu.memory_space<hbm>> -> memref<80xi32, #tpu.memory_space<hbm>>
        %dma_start3A_57 = tpu.memref_slice %arg5[%add3A_33] : memref<320000xi32, #tpu.memory_space<hbm>> -> memref<80xi32, #tpu.memory_space<hbm>>
        tpu.enqueue_dma source(%dma_start3A_57 : memref<80xi32, #tpu.memory_space<hbm>>) target(%arg10 : memref<80xi32, #tpu.memory_space<vmem>>) target_semaphore(%run_scoped3A : memref<!tpu.dma_semaphore, #tpu.memory_space<semaphore_mem>>)
        %dma_wait3A_58 = tpu.memref_slice %arg5[%add3A_33] : memref<320000xi32, #tpu.memory_space<hbm>> -> memref<80xi32, #tpu.memory_space<hbm>>
        %dma_wait3A_59 = tpu.memref_slice %arg5[%add3A_33] : memref<320000xi32, #tpu.memory_space<hbm>> -> memref<80xi32, #tpu.memory_space<hbm>>
        tpu.wait_dma2 semaphore(%run_scoped3A : memref<!tpu.dma_semaphore, #tpu.memory_space<semaphore_mem>>) src(%dma_wait3A_59 : memref<80xi32, #tpu.memory_space<hbm>>) dst(%arg10 : memref<80xi32, #tpu.memory_space<vmem>>)
        tpu.yield
      }) : () -> ()
      "tpu.region"() ({
        %run_scoped3A = tpu.sem_alloc : memref<!tpu.dma_semaphore, #tpu.memory_space<semaphore_mem>>
        %dma_start3A_56 = tpu.memref_slice %arg6[%add3A_33] : memref<320000xi32, #tpu.memory_space<hbm>> -> memref<80xi32, #tpu.memory_space<hbm>>
        %dma_start3A_57 = tpu.memref_slice %arg6[%add3A_33] : memref<320000xi32, #tpu.memory_space<hbm>> -> memref<80xi32, #tpu.memory_space<hbm>>
        tpu.enqueue_dma source(%dma_start3A_57 : memref<80xi32, #tpu.memory_space<hbm>>) target(%arg11 : memref<80xi32, #tpu.memory_space<vmem>>) target_semaphore(%run_scoped3A : memref<!tpu.dma_semaphore, #tpu.memory_space<semaphore_mem>>)
        %dma_wait3A_58 = tpu.memref_slice %arg6[%add3A_33] : memref<320000xi32, #tpu.memory_space<hbm>> -> memref<80xi32, #tpu.memory_space<hbm>>
        %dma_wait3A_59 = tpu.memref_slice %arg6[%add3A_33] : memref<320000xi32, #tpu.memory_space<hbm>> -> memref<80xi32, #tpu.memory_space<hbm>>
        tpu.wait_dma2 semaphore(%run_scoped3A : memref<!tpu.dma_semaphore, #tpu.memory_space<semaphore_mem>>) src(%dma_wait3A_59 : memref<80xi32, #tpu.memory_space<hbm>>) dst(%arg11 : memref<80xi32, #tpu.memory_space<vmem>>)
        tpu.yield
      }) : () -> ()
      %dma_start3A = arith.constant 0 : i32
      %dma_start3A_34 = arith.constant 0 : i32
      %dma_start3A_35 = tpu.memref_slice %arg2[%dma_start3A, %dma_start3A_34] : memref<10000x160xf32, #tpu.memory_space<hbm>> -> memref<10000x160xf32, #tpu.memory_space<hbm>>
      tpu.enqueue_indirect_dma source(%dma_start3A_35 : memref<10000x160xf32, #tpu.memory_space<hbm>>) target(%arg12 : memref<80x160xf32, #tpu.memory_space<vmem>>) offsets(%arg10 : memref<80xi32, #tpu.memory_space<vmem>>) semaphore(%arg18 : memref<!tpu.dma_semaphore, #tpu.memory_space<semaphore_mem>>)
      %dma_start3A_36 = arith.constant 0 : i32
      %dma_start3A_37 = arith.constant 0 : i32
      %dma_start3A_38 = tpu.memref_slice %arg3[%dma_start3A_36, %dma_start3A_37] : memref<10000x192xf32, #tpu.memory_space<hbm>> -> memref<10000x192xf32, #tpu.memory_space<hbm>>
      tpu.enqueue_indirect_dma source(%dma_start3A_38 : memref<10000x192xf32, #tpu.memory_space<hbm>>) target(%arg13 : memref<80x192xf32, #tpu.memory_space<vmem>>) offsets(%arg11 : memref<80xi32, #tpu.memory_space<vmem>>) semaphore(%arg18 : memref<!tpu.dma_semaphore, #tpu.memory_space<semaphore_mem>>)
      %dma_start3A_39 = arith.constant 0 : i32
      %dma_start3A_40 = tpu.memref_slice %arg4[%add3A_33, %dma_start3A_39] : memref<320000x48xf32, #tpu.memory_space<hbm>> -> memref<80x48xf32, #tpu.memory_space<hbm>>
      %dma_start3A_41 = arith.constant 0 : i32
      %dma_start3A_42 = tpu.memref_slice %arg4[%add3A_33, %dma_start3A_41] : memref<320000x48xf32, #tpu.memory_space<hbm>> -> memref<80x48xf32, #tpu.memory_space<hbm>>
      tpu.enqueue_dma source(%dma_start3A_42 : memref<80x48xf32, #tpu.memory_space<hbm>>) target(%arg14 : memref<80x48xf32, #tpu.memory_space<vmem>>) target_semaphore(%arg18 : memref<!tpu.dma_semaphore, #tpu.memory_space<semaphore_mem>>)
      %dma_wait3A = arith.constant 0 : i32
      %dma_wait3A_43 = arith.constant 0 : i32
      %dma_wait3A_44 = tpu.memref_slice %arg2[%dma_wait3A, %dma_wait3A_43] : memref<10000x160xf32, #tpu.memory_space<hbm>> -> memref<10000x160xf32, #tpu.memory_space<hbm>>
      tpu.wait_indirect_dma semaphore(%arg18 : memref<!tpu.dma_semaphore, #tpu.memory_space<semaphore_mem>>) src(%dma_wait3A_44 : memref<10000x160xf32, #tpu.memory_space<hbm>>) dst(%arg12 : memref<80x160xf32, #tpu.memory_space<vmem>>)
      %dma_wait3A_45 = arith.constant 0 : i32
      %dma_wait3A_46 = arith.constant 0 : i32
      %dma_wait3A_47 = tpu.memref_slice %arg3[%dma_wait3A_45, %dma_wait3A_46] : memref<10000x192xf32, #tpu.memory_space<hbm>> -> memref<10000x192xf32, #tpu.memory_space<hbm>>
      tpu.wait_indirect_dma semaphore(%arg18 : memref<!tpu.dma_semaphore, #tpu.memory_space<semaphore_mem>>) src(%dma_wait3A_47 : memref<10000x192xf32, #tpu.memory_space<hbm>>) dst(%arg13 : memref<80x192xf32, #tpu.memory_space<vmem>>)
      %dma_wait3A_48 = arith.constant 0 : i32
      %dma_wait3A_49 = tpu.memref_slice %arg4[%add3A_33, %dma_wait3A_48] : memref<320000x48xf32, #tpu.memory_space<hbm>> -> memref<80x48xf32, #tpu.memory_space<hbm>>
      %dma_wait3A_50 = arith.constant 0 : i32
      %dma_wait3A_51 = tpu.memref_slice %arg4[%add3A_33, %dma_wait3A_50] : memref<320000x48xf32, #tpu.memory_space<hbm>> -> memref<80x48xf32, #tpu.memory_space<hbm>>
      tpu.wait_dma2 semaphore(%arg18 : memref<!tpu.dma_semaphore, #tpu.memory_space<semaphore_mem>>) src(%dma_wait3A_51 : memref<80x48xf32, #tpu.memory_space<hbm>>) dst(%arg14 : memref<80x48xf32, #tpu.memory_space<vmem>>)
      %parallel_loop3A = arith.constant 0 : i32
      %parallel_loop3A_52 = arith.constant 80 : i32
      %parallel_loop3A_53 = arith.constant 1 : i32
      %parallel_loop3A_54 = arith.constant 0 : i32
      %parallel_loop3A_55 = scf.for %parallel_loop3A_56 = %parallel_loop3A to %parallel_loop3A_52 step %parallel_loop3A_53 iter_args(%parallel_loop3A_57 = %parallel_loop3A_54) -> (i32)  : i32 {
        %parallel_loop3A_58 = arith.index_cast %parallel_loop3A_56 : i32 to index
        %parallel_loop3A_59 = arith.constant 0 : index
        %parallel_loop3A_60 = tpu.vector_load %arg14[%parallel_loop3A_58, %parallel_loop3A_59] {strides = array<i32>} : memref<80x48xf32, #tpu.memory_space<vmem>>, vector<16xf32>,
        %parallel_loop3A_61 = arith.index_cast %parallel_loop3A_56 : i32 to index
        %parallel_loop3A_62 = arith.constant 16 : index
        %parallel_loop3A_63 = tpu.vector_load %arg14[%parallel_loop3A_61, %parallel_loop3A_62] {strides = array<i32>} : memref<80x48xf32, #tpu.memory_space<vmem>>, vector<16xf32>,
        %parallel_loop3A_64 = arith.index_cast %parallel_loop3A_56 : i32 to index
        %parallel_loop3A_65 = arith.constant 32 : index
        %parallel_loop3A_66 = tpu.vector_load %arg14[%parallel_loop3A_64, %parallel_loop3A_65] {strides = array<i32>} : memref<80x48xf32, #tpu.memory_space<vmem>>, vector<16xf32>,
        %parallel_loop3A_67 = arith.index_cast %parallel_loop3A_56 : i32 to index
        %parallel_loop3A_68 = arith.constant 128 : index
        %parallel_loop3A_69 = tpu.vector_load %arg12[%parallel_loop3A_67, %parallel_loop3A_68] {strides = array<i32>} : memref<80x160xf32, #tpu.memory_space<vmem>>, vector<16xf32>,
        %parallel_loop3A_70 = arith.mulf %parallel_loop3A_60, %parallel_loop3A_69 : vector<16xf32>
        %parallel_loop3A_71 = arith.index_cast %parallel_loop3A_56 : i32 to index
        %parallel_loop3A_72 = arith.constant 144 : index
        %parallel_loop3A_73 = tpu.vector_load %arg12[%parallel_loop3A_71, %parallel_loop3A_72] {strides = array<i32>} : memref<80x160xf32, #tpu.memory_space<vmem>>, vector<16xf32>,
        %parallel_loop3A_74 = arith.mulf %parallel_loop3A_63, %parallel_loop3A_73 : vector<16xf32>
        %parallel_loop3A_75 = arith.addf %parallel_loop3A_70, %parallel_loop3A_74 : vector<16xf32>
        %parallel_loop3A_76 = arith.index_cast %parallel_loop3A_56 : i32 to index
        %parallel_loop3A_77 = arith.constant 128 : index
        %parallel_loop3A_78 = tpu.vector_load %arg13[%parallel_loop3A_76, %parallel_loop3A_77] {strides = array<i32>} : memref<80x192xf32, #tpu.memory_space<vmem>>, vector<16xf32>,
        %parallel_loop3A_79 = arith.mulf %parallel_loop3A_78, %parallel_loop3A_75 : vector<16xf32>
        %parallel_loop3A_80 = arith.index_cast %parallel_loop3A_56 : i32 to index
        %parallel_loop3A_81 = arith.constant 144 : index
        %parallel_loop3A_82 = tpu.vector_load %arg13[%parallel_loop3A_80, %parallel_loop3A_81] {strides = array<i32>} : memref<80x192xf32, #tpu.memory_space<vmem>>, vector<16xf32>,
        %parallel_loop3A_83 = arith.mulf %parallel_loop3A_82, %parallel_loop3A_66 : vector<16xf32>
        %parallel_loop3A_84 = arith.addf %parallel_loop3A_79, %parallel_loop3A_83 : vector<16xf32>
        %parallel_loop3A_85 = arith.index_cast %parallel_loop3A_56 : i32 to index
        %parallel_loop3A_86 = arith.constant 0 : index
        %parallel_loop3A_87 = tpu.vector_load %arg13[%parallel_loop3A_85, %parallel_loop3A_86] {strides = array<i32>} : memref<80x192xf32, #tpu.memory_space<vmem>>, vector<16xf32>,
        %parallel_loop3A_88 = arith.index_cast %parallel_loop3A_56 : i32 to index
        %parallel_loop3A_89 = arith.constant 0 : index
        %parallel_loop3A_90 = tpu.vector_load %arg12[%parallel_loop3A_88, %parallel_loop3A_89] {strides = array<i32>} : memref<80x160xf32, #tpu.memory_space<vmem>>, vector<16xf32>,
        %parallel_loop3A_91 = arith.mulf %parallel_loop3A_87, %parallel_loop3A_90 : vector<16xf32>
        %parallel_loop3A_92 = arith.addf %parallel_loop3A_84, %parallel_loop3A_91 : vector<16xf32>
        %parallel_loop3A_93 = arith.index_cast %parallel_loop3A_56 : i32 to index
        %parallel_loop3A_94 = arith.constant 16 : index
        %parallel_loop3A_95 = tpu.vector_load %arg13[%parallel_loop3A_93, %parallel_loop3A_94] {strides = array<i32>} : memref<80x192xf32, #tpu.memory_space<vmem>>, vector<16xf32>,
        %parallel_loop3A_96 = arith.index_cast %parallel_loop3A_56 : i32 to index
        %parallel_loop3A_97 = arith.constant 16 : index
        %parallel_loop3A_98 = tpu.vector_load %arg12[%parallel_loop3A_96, %parallel_loop3A_97] {strides = array<i32>} : memref<80x160xf32, #tpu.memory_space<vmem>>, vector<16xf32>,
        %parallel_loop3A_99 = arith.mulf %parallel_loop3A_95, %parallel_loop3A_98 : vector<16xf32>
        %parallel_loop3A_100 = arith.addf %parallel_loop3A_92, %parallel_loop3A_99 : vector<16xf32>
        %parallel_loop3A_101 = arith.index_cast %parallel_loop3A_56 : i32 to index
        %parallel_loop3A_102 = arith.constant 32 : index
        %parallel_loop3A_103 = tpu.vector_load %arg13[%parallel_loop3A_101, %parallel_loop3A_102] {strides = array<i32>} : memref<80x192xf32, #tpu.memory_space<vmem>>, vector<16xf32>,
        %parallel_loop3A_104 = arith.index_cast %parallel_loop3A_56 : i32 to index
        %parallel_loop3A_105 = arith.constant 32 : index
        %parallel_loop3A_106 = tpu.vector_load %arg12[%parallel_loop3A_104, %parallel_loop3A_105] {strides = array<i32>} : memref<80x160xf32, #tpu.memory_space<vmem>>, vector<16xf32>,
        %parallel_loop3A_107 = arith.mulf %parallel_loop3A_103, %parallel_loop3A_106 : vector<16xf32>
        %parallel_loop3A_108 = arith.addf %parallel_loop3A_100, %parallel_loop3A_107 : vector<16xf32>
        %parallel_loop3A_109 = arith.index_cast %parallel_loop3A_56 : i32 to index
        %parallel_loop3A_110 = arith.constant 48 : index
        %parallel_loop3A_111 = tpu.vector_load %arg13[%parallel_loop3A_109, %parallel_loop3A_110] {strides = array<i32>} : memref<80x192xf32, #tpu.memory_space<vmem>>, vector<16xf32>,
        %parallel_loop3A_112 = arith.index_cast %parallel_loop3A_56 : i32 to index
        %parallel_loop3A_113 = arith.constant 48 : index
        %parallel_loop3A_114 = tpu.vector_load %arg12[%parallel_loop3A_112, %parallel_loop3A_113] {strides = array<i32>} : memref<80x160xf32, #tpu.memory_space<vmem>>, vector<16xf32>,
        %parallel_loop3A_115 = arith.mulf %parallel_loop3A_111, %parallel_loop3A_114 : vector<16xf32>
        %parallel_loop3A_116 = arith.addf %parallel_loop3A_108, %parallel_loop3A_115 : vector<16xf32>
        %parallel_loop3A_117 = arith.index_cast %parallel_loop3A_56 : i32 to index
        %parallel_loop3A_118 = arith.constant 160 : index
        %parallel_loop3A_119 = tpu.vector_load %arg13[%parallel_loop3A_117, %parallel_loop3A_118] {strides = array<i32>} : memref<80x192xf32, #tpu.memory_space<vmem>>, vector<16xf32>,
        %parallel_loop3A_120 = arith.mulf %parallel_loop3A_119, %parallel_loop3A_75 : vector<16xf32>
        %parallel_loop3A_121 = arith.index_cast %parallel_loop3A_56 : i32 to index
        %parallel_loop3A_122 = arith.constant 176 : index
        %parallel_loop3A_123 = tpu.vector_load %arg13[%parallel_loop3A_121, %parallel_loop3A_122] {strides = array<i32>} : memref<80x192xf32, #tpu.memory_space<vmem>>, vector<16xf32>,
        %parallel_loop3A_124 = arith.mulf %parallel_loop3A_123, %parallel_loop3A_66 : vector<16xf32>
        %parallel_loop3A_125 = arith.addf %parallel_loop3A_120, %parallel_loop3A_124 : vector<16xf32>
        %parallel_loop3A_126 = arith.index_cast %parallel_loop3A_56 : i32 to index
        %parallel_loop3A_127 = arith.constant 64 : index
        %parallel_loop3A_128 = tpu.vector_load %arg13[%parallel_loop3A_126, %parallel_loop3A_127] {strides = array<i32>} : memref<80x192xf32, #tpu.memory_space<vmem>>, vector<16xf32>,
        %parallel_loop3A_129 = arith.index_cast %parallel_loop3A_56 : i32 to index
        %parallel_loop3A_130 = arith.constant 64 : index
        %parallel_loop3A_131 = tpu.vector_load %arg12[%parallel_loop3A_129, %parallel_loop3A_130] {strides = array<i32>} : memref<80x160xf32, #tpu.memory_space<vmem>>, vector<16xf32>,
        %parallel_loop3A_132 = arith.mulf %parallel_loop3A_128, %parallel_loop3A_131 : vector<16xf32>
        %parallel_loop3A_133 = arith.addf %parallel_loop3A_125, %parallel_loop3A_132 : vector<16xf32>
        %parallel_loop3A_134 = arith.index_cast %parallel_loop3A_56 : i32 to index
        %parallel_loop3A_135 = arith.constant 80 : index
        %parallel_loop3A_136 = tpu.vector_load %arg13[%parallel_loop3A_134, %parallel_loop3A_135] {strides = array<i32>} : memref<80x192xf32, #tpu.memory_space<vmem>>, vector<16xf32>,
        %parallel_loop3A_137 = arith.index_cast %parallel_loop3A_56 : i32 to index
        %parallel_loop3A_138 = arith.constant 80 : index
        %parallel_loop3A_139 = tpu.vector_load %arg12[%parallel_loop3A_137, %parallel_loop3A_138] {strides = array<i32>} : memref<80x160xf32, #tpu.memory_space<vmem>>, vector<16xf32>,
        %parallel_loop3A_140 = arith.mulf %parallel_loop3A_136, %parallel_loop3A_139 : vector<16xf32>
        %parallel_loop3A_141 = arith.addf %parallel_loop3A_133, %parallel_loop3A_140 : vector<16xf32>
        %parallel_loop3A_142 = arith.index_cast %parallel_loop3A_56 : i32 to index
        %parallel_loop3A_143 = arith.constant 96 : index
        %parallel_loop3A_144 = tpu.vector_load %arg13[%parallel_loop3A_142, %parallel_loop3A_143] {strides = array<i32>} : memref<80x192xf32, #tpu.memory_space<vmem>>, vector<16xf32>,
        %parallel_loop3A_145 = arith.index_cast %parallel_loop3A_56 : i32 to index
        %parallel_loop3A_146 = arith.constant 96 : index
        %parallel_loop3A_147 = tpu.vector_load %arg12[%parallel_loop3A_145, %parallel_loop3A_146] {strides = array<i32>} : memref<80x160xf32, #tpu.memory_space<vmem>>, vector<16xf32>,
        %parallel_loop3A_148 = arith.mulf %parallel_loop3A_144, %parallel_loop3A_147 : vector<16xf32>
        %parallel_loop3A_149 = arith.addf %parallel_loop3A_141, %parallel_loop3A_148 : vector<16xf32>
        %parallel_loop3A_150 = arith.index_cast %parallel_loop3A_56 : i32 to index
        %parallel_loop3A_151 = arith.constant 112 : index
        %parallel_loop3A_152 = tpu.vector_load %arg13[%parallel_loop3A_150, %parallel_loop3A_151] {strides = array<i32>} : memref<80x192xf32, #tpu.memory_space<vmem>>, vector<16xf32>,
        %parallel_loop3A_153 = arith.index_cast %parallel_loop3A_56 : i32 to index
        %parallel_loop3A_154 = arith.constant 112 : index
        %parallel_loop3A_155 = tpu.vector_load %arg12[%parallel_loop3A_153, %parallel_loop3A_154] {strides = array<i32>} : memref<80x160xf32, #tpu.memory_space<vmem>>, vector<16xf32>,
        %parallel_loop3A_156 = arith.mulf %parallel_loop3A_152, %parallel_loop3A_155 : vector<16xf32>
        %parallel_loop3A_157 = arith.addf %parallel_loop3A_149, %parallel_loop3A_156 : vector<16xf32>
        %parallel_loop3A_158 = arith.constant true
        %parallel_loop3A_159 = vector.broadcast %parallel_loop3A_158 : i1 to vector<16xi1>
        %parallel_loop3A_160 = tpu.scan <sum>, %parallel_loop3A_116 masked %parallel_loop3A_159 : vector<16xf32>, vector<16xi1> -> vector<16xf32>
        %parallel_loop3A_161 = vector.extract %parallel_loop3A_160[15] : f32 from vector<16xf32>
        %parallel_loop3A_162 = vector.broadcast %parallel_loop3A_161 : f32 to vector<16xf32>
        %parallel_loop3A_163 = math.exp %parallel_loop3A_162 : vector<16xf32>
        %parallel_loop3A_164 = arith.constant true
        %parallel_loop3A_165 = vector.broadcast %parallel_loop3A_164 : i1 to vector<16xi1>
        %parallel_loop3A_166 = tpu.scan <sum>, %parallel_loop3A_157 masked %parallel_loop3A_165 : vector<16xf32>, vector<16xi1> -> vector<16xf32>
        %parallel_loop3A_167 = vector.extract %parallel_loop3A_166[15] : f32 from vector<16xf32>
        %parallel_loop3A_168 = vector.broadcast %parallel_loop3A_167 : f32 to vector<16xf32>
        %parallel_loop3A_169 = math.exp %parallel_loop3A_168 : vector<16xf32>
        %parallel_loop3A_170 = arith.mulf %parallel_loop3A_75, %parallel_loop3A_163 : vector<16xf32>
        %parallel_loop3A_171 = arith.index_cast %parallel_loop3A_56 : i32 to index
        %parallel_loop3A_172 = arith.constant 0 : index
        %parallel_loop3A_173 = tpu.vector_load %arg15[%parallel_loop3A_171, %parallel_loop3A_172] {strides = array<i32>} : memref<80x80xf32, #tpu.memory_space<vmem>>, vector<16xf32>,
        tpu.vector_store %arg15[%parallel_loop3A_171, %parallel_loop3A_172], %parallel_loop3A_170 {strides = array<i32>} : memref<80x80xf32, #tpu.memory_space<vmem>>, vector<16xf32>,
        %parallel_loop3A_174 = arith.mulf %parallel_loop3A_66, %parallel_loop3A_163 : vector<16xf32>
        %parallel_loop3A_175 = arith.index_cast %parallel_loop3A_56 : i32 to index
        %parallel_loop3A_176 = arith.constant 16 : index
        %parallel_loop3A_177 = tpu.vector_load %arg15[%parallel_loop3A_175, %parallel_loop3A_176] {strides = array<i32>} : memref<80x80xf32, #tpu.memory_space<vmem>>, vector<16xf32>,
        tpu.vector_store %arg15[%parallel_loop3A_175, %parallel_loop3A_176], %parallel_loop3A_174 {strides = array<i32>} : memref<80x80xf32, #tpu.memory_space<vmem>>, vector<16xf32>,
        %parallel_loop3A_178 = arith.mulf %parallel_loop3A_75, %parallel_loop3A_169 : vector<16xf32>
        %parallel_loop3A_179 = arith.index_cast %parallel_loop3A_56 : i32 to index
        %parallel_loop3A_180 = arith.constant 32 : index
        %parallel_loop3A_181 = tpu.vector_load %arg15[%parallel_loop3A_179, %parallel_loop3A_180] {strides = array<i32>} : memref<80x80xf32, #tpu.memory_space<vmem>>, vector<16xf32>,
        tpu.vector_store %arg15[%parallel_loop3A_179, %parallel_loop3A_180], %parallel_loop3A_178 {strides = array<i32>} : memref<80x80xf32, #tpu.memory_space<vmem>>, vector<16xf32>,
        %parallel_loop3A_182 = arith.mulf %parallel_loop3A_66, %parallel_loop3A_169 : vector<16xf32>
        %parallel_loop3A_183 = arith.index_cast %parallel_loop3A_56 : i32 to index
        %parallel_loop3A_184 = arith.constant 48 : index
        %parallel_loop3A_185 = tpu.vector_load %arg15[%parallel_loop3A_183, %parallel_loop3A_184] {strides = array<i32>} : memref<80x80xf32, #tpu.memory_space<vmem>>, vector<16xf32>,
        tpu.vector_store %arg15[%parallel_loop3A_183, %parallel_loop3A_184], %parallel_loop3A_182 {strides = array<i32>} : memref<80x80xf32, #tpu.memory_space<vmem>>, vector<16xf32>,
        %parallel_loop3A_186 = arith.constant 0 : i32
        %parallel_loop3A_187 = vector.broadcast %parallel_loop3A_186 : i32 to vector<16xi32>
        %parallel_loop3A_188 = arith.cmpi eq, %iota3A, %parallel_loop3A_187 : vector<16xi32>
        %parallel_loop3A_189 = arith.constant 1 : i32
        %parallel_loop3A_190 = vector.broadcast %parallel_loop3A_189 : i32 to vector<16xi32>
        %parallel_loop3A_191 = arith.cmpi eq, %iota3A, %parallel_loop3A_190 : vector<16xi32>
        %parallel_loop3A_192 = arith.select %parallel_loop3A_191, %parallel_loop3A_169, %broadcast_in_dim3A_1 : vector<16xi1>, vector<16xf32>
        %parallel_loop3A_193 = arith.select %parallel_loop3A_188, %parallel_loop3A_163, %parallel_loop3A_192 : vector<16xi1>, vector<16xf32>
        %parallel_loop3A_194 = arith.index_cast %parallel_loop3A_56 : i32 to index
        %parallel_loop3A_195 = arith.constant 64 : index
        %parallel_loop3A_196 = tpu.vector_load %arg15[%parallel_loop3A_194, %parallel_loop3A_195] {strides = array<i32>} : memref<80x80xf32, #tpu.memory_space<vmem>>, vector<16xf32>,
        tpu.vector_store %arg15[%parallel_loop3A_194, %parallel_loop3A_195], %parallel_loop3A_193 {strides = array<i32>} : memref<80x80xf32, #tpu.memory_space<vmem>>, vector<16xf32>,
        %parallel_loop3A_197 = arith.index_cast %parallel_loop3A_56 : i32 to index
        %parallel_loop3A_198 = arith.constant 0 : index
        %parallel_loop3A_199 = tpu.vector_load %arg16[%parallel_loop3A_197, %parallel_loop3A_198] {strides = array<i32>} : memref<80x32xf32, #tpu.memory_space<vmem>>, vector<16xf32>,
        tpu.vector_store %arg16[%parallel_loop3A_197, %parallel_loop3A_198], %parallel_loop3A_163 {strides = array<i32>} : memref<80x32xf32, #tpu.memory_space<vmem>>, vector<16xf32>,
        %parallel_loop3A_200 = arith.index_cast %parallel_loop3A_56 : i32 to index
        %parallel_loop3A_201 = arith.constant 16 : index
        %parallel_loop3A_202 = tpu.vector_load %arg16[%parallel_loop3A_200, %parallel_loop3A_201] {strides = array<i32>} : memref<80x32xf32, #tpu.memory_space<vmem>>, vector<16xf32>,
        tpu.vector_store %arg16[%parallel_loop3A_200, %parallel_loop3A_201], %parallel_loop3A_169 {strides = array<i32>} : memref<80x32xf32, #tpu.memory_space<vmem>>, vector<16xf32>,
        scf.yield %parallel_loop3A_57 : i32
      } {sc.loop_unroll_factor = 4 : i64, sc.parallel_access}
      "tpu.region"() ({
        %run_scoped3A = tpu.sem_alloc : memref<!tpu.dma_semaphore, #tpu.memory_space<semaphore_mem>>
        %dma_start3A_56 = arith.constant 0 : i32
        %dma_start3A_57 = arith.constant 0 : i32
        %dma_start3A_58 = tpu.memref_slice %arg9[%dma_start3A_56, %dma_start3A_57] : memref<10000x80xf32, #tpu.memory_space<vmem_shared>> -> memref<10000x80xf32, #tpu.memory_space<vmem_shared>>
        tpu.enqueue_indirect_dma source(%arg15 : memref<80x80xf32, #tpu.memory_space<vmem>>) target(%dma_start3A_58 : memref<10000x80xf32, #tpu.memory_space<vmem_shared>>) offsets(%arg11 : memref<80xi32, #tpu.memory_space<vmem>>) semaphore(%run_scoped3A : memref<!tpu.dma_semaphore, #tpu.memory_space<semaphore_mem>>) {add = true}
        %dma_wait3A_59 = arith.constant 0 : i32
        %dma_wait3A_60 = arith.constant 0 : i32
        %dma_wait3A_61 = tpu.memref_slice %arg9[%dma_wait3A_59, %dma_wait3A_60] : memref<10000x80xf32, #tpu.memory_space<vmem_shared>> -> memref<10000x80xf32, #tpu.memory_space<vmem_shared>>
        tpu.wait_indirect_dma semaphore(%run_scoped3A : memref<!tpu.dma_semaphore, #tpu.memory_space<semaphore_mem>>) src(%arg15 : memref<80x80xf32, #tpu.memory_space<vmem>>) dst(%dma_wait3A_61 : memref<10000x80xf32, #tpu.memory_space<vmem_shared>>)
        tpu.yield
      }) : () -> ()
      "tpu.region"() ({
        %run_scoped3A = tpu.sem_alloc : memref<!tpu.dma_semaphore, #tpu.memory_space<semaphore_mem>>
        %dma_start3A_56 = arith.constant 0 : i32
        %dma_start3A_57 = tpu.memref_slice %arg8[%add3A_33, %dma_start3A_56] : memref<320000x32xf32, #tpu.memory_space<hbm>> -> memref<80x32xf32, #tpu.memory_space<hbm>>
        %dma_start3A_58 = arith.constant 0 : i32
        %dma_start3A_59 = tpu.memref_slice %arg8[%add3A_33, %dma_start3A_58] : memref<320000x32xf32, #tpu.memory_space<hbm>> -> memref<80x32xf32, #tpu.memory_space<hbm>>
        tpu.enqueue_dma source(%arg16 : memref<80x32xf32, #tpu.memory_space<vmem>>) target(%dma_start3A_59 : memref<80x32xf32, #tpu.memory_space<hbm>>) target_semaphore(%run_scoped3A : memref<!tpu.dma_semaphore, #tpu.memory_space<semaphore_mem>>)
        %dma_wait3A_60 = arith.constant 0 : i32
        %dma_wait3A_61 = tpu.memref_slice %arg8[%add3A_33, %dma_wait3A_60] : memref<320000x32xf32, #tpu.memory_space<hbm>> -> memref<80x32xf32, #tpu.memory_space<hbm>>
        %dma_wait3A_62 = arith.constant 0 : i32
        %dma_wait3A_63 = tpu.memref_slice %arg8[%add3A_33, %dma_wait3A_62] : memref<320000x32xf32, #tpu.memory_space<hbm>> -> memref<80x32xf32, #tpu.memory_space<hbm>>
        tpu.wait_dma2 semaphore(%run_scoped3A : memref<!tpu.dma_semaphore, #tpu.memory_space<semaphore_mem>>) src(%arg16 : memref<80x32xf32, #tpu.memory_space<vmem>>) dst(%dma_wait3A_63 : memref<80x32xf32, #tpu.memory_space<hbm>>)
        tpu.yield
      }) : () -> ()
    }
    %scan3A_20 = arith.constant 125 : i32
    %barrier3A_21 = arith.constant 0 : index
    tpu.barrier barrier_id(%barrier3A_21)
    %scan3A_22 = arith.constant 0 : i32
    %scan3A_23 = arith.constant 0 : i32
    %scan3A_24 = arith.constant 8 : i32
    %scan3A_25 = arith.addi %scan3A_23, %scan3A_24 : i32
    %scan3A_26 = arith.constant 1 : i32
    scf.for %scan3A_28 = %scan3A_23 to %scan3A_25 step %scan3A_26  : i32 {
      %mul3A_29 = arith.constant 16 : i32
      %mul3A_30 = arith.muli %scan3A_28, %mul3A_29 : i32
      %add3A_31 = arith.addi %arg1, %mul3A_30 : i32
      %lt3A = arith.constant 125 : i32
      %lt3A_32 = arith.cmpi slt, %add3A_31, %lt3A : i32
      %convert_element_type3A = arith.extui %lt3A_32 : i1 to i32
      %cond3A = arith.constant 0 : i32
      %cond3A_33 = arith.cmpi ne, %convert_element_type3A, %cond3A : i32
      scf.if %cond3A_33 {
        %mul3A_34 = arith.constant 80 : i32
        %mul3A_35 = arith.muli %add3A_31, %mul3A_34 : i32
        %mul3A_36 = arith.constant 80 : i32
        %mul3A_37 = arith.muli %add3A_31, %mul3A_36 : i32
        "tpu.region"() ({
          %run_scoped3A = tpu.sem_alloc : memref<!tpu.dma_semaphore, #tpu.memory_space<semaphore_mem>>
          %dma_start3A = arith.constant 0 : i32
          %dma_start3A_38 = tpu.memref_slice %arg7[%arg0, %mul3A_37, %dma_start3A] : memref<2x10000x80xf32, #tpu.memory_space<hbm>> -> memref<1x80x80xf32, #tpu.memory_space<hbm>>
          %dma_start3A_39 = tpu.memref_squeeze %dma_start3A_38 : memref<1x80x80xf32, #tpu.memory_space<hbm>> -> memref<80x80xf32, #tpu.memory_space<hbm>>
          %dma_start3A_40 = arith.constant 0 : i32
          %dma_start3A_41 = tpu.memref_slice %arg9[%mul3A_35, %dma_start3A_40] : memref<10000x80xf32, #tpu.memory_space<vmem_shared>> -> memref<80x80xf32, #tpu.memory_space<vmem_shared>>
          tpu.enqueue_dma source(%dma_start3A_41 : memref<80x80xf32, #tpu.memory_space<vmem_shared>>) target(%dma_start3A_39 : memref<80x80xf32, #tpu.memory_space<hbm>>) target_semaphore(%run_scoped3A : memref<!tpu.dma_semaphore, #tpu.memory_space<semaphore_mem>>)
          %dma_wait3A = arith.constant 0 : i32
          %dma_wait3A_42 = tpu.memref_slice %arg7[%arg0, %mul3A_37, %dma_wait3A] : memref<2x10000x80xf32, #tpu.memory_space<hbm>> -> memref<1x80x80xf32, #tpu.memory_space<hbm>>
          %dma_wait3A_43 = tpu.memref_squeeze %dma_wait3A_42 : memref<1x80x80xf32, #tpu.memory_space<hbm>> -> memref<80x80xf32, #tpu.memory_space<hbm>>
          %dma_wait3A_44 = arith.constant 0 : i32
          %dma_wait3A_45 = tpu.memref_slice %arg9[%mul3A_35, %dma_wait3A_44] : memref<10000x80xf32, #tpu.memory_space<vmem_shared>> -> memref<80x80xf32, #tpu.memory_space<vmem_shared>>
          tpu.wait_dma2 semaphore(%run_scoped3A : memref<!tpu.dma_semaphore, #tpu.memory_space<semaphore_mem>>) src(%dma_wait3A_45 : memref<80x80xf32, #tpu.memory_space<vmem_shared>>) dst(%dma_wait3A_43 : memref<80x80xf32, #tpu.memory_space<hbm>>)
          tpu.yield
        }) : () -> ()
      } else {
      }
    }
    %scan3A_27 = arith.constant 8 : i32
    return
  }
}

#map = affine_map<(d0, d1) -> (0, 0)>
#map1 = affine_map<(d0, d1) -> (0)>
#map2 = affine_map<(d0, d1) -> (0, 0, 0)>
module attributes {stable_mosaic.version = 14 : i64} {
  func.func @_pd2(%arg0: i32, %arg1: i32, %arg2: memref<10000x128xf32, #tpu.memory_space<hbm>>, %arg3: memref<320000x32xf32, #tpu.memory_space<hbm>>, %arg4: memref<320000xi32, #tpu.memory_space<hbm>>, %arg5: memref<320000xi32, #tpu.memory_space<hbm>>, %arg6: memref<2x10000x128xf32, #tpu.memory_space<hbm>>, %arg7: memref<10000x128xf32, #tpu.memory_space<vmem_shared>>, %arg8: memref<80xi32, #tpu.memory_space<vmem>>, %arg9: memref<80xi32, #tpu.memory_space<vmem>>, %arg10: memref<80x128xf32, #tpu.memory_space<vmem>>, %arg11: memref<80x32xf32, #tpu.memory_space<vmem>>, %arg12: memref<80x128xf32, #tpu.memory_space<vmem>>, %arg13: memref<80x128xf32, #tpu.memory_space<vmem>>, %arg14: memref<!tpu.dma_semaphore, #tpu.memory_space<semaphore_mem>>) attributes {dimension_semantics = [#tpu.dimension_semantics<core_parallel>, #tpu.dimension_semantics<subcore_parallel>], iteration_bounds = array<i64: 2, 16>, scalar_prefetch = 0 : i64, scratch_operands = 8 : i64, tpu.core_type = #tpu.core_type<sc_vector_subcore>, window_params = [{transform_indices = #map}, {transform_indices = #map}, {transform_indices = #map1}, {transform_indices = #map1}, {transform_indices = #map2}]} {
    %mul3A = arith.constant 2 : i32
    %mul3A_0 = arith.muli %arg1, %mul3A : i32
    %add3A = arith.addi %mul3A_0, %arg0 : i32
    %broadcast_in_dim3A = arith.constant 0.000000e+00 : f32
    %broadcast_in_dim3A_1 = vector.broadcast %broadcast_in_dim3A : f32 to vector<16xf32>
    %scan3A = arith.constant 0 : i32
    %scan3A_2 = arith.constant 0 : i32
    %scan3A_3 = arith.constant 80 : i32
    %scan3A_4 = arith.addi %scan3A_2, %scan3A_3 : i32
    %scan3A_5 = arith.constant 1 : i32
    scf.for %scan3A_26 = %scan3A_2 to %scan3A_4 step %scan3A_5  : i32 {
      %swap3A = arith.index_cast %scan3A_26 : i32 to index
      %swap3A_27 = arith.constant 0 : index
      %swap3A_28 = tpu.vector_load %arg13[%swap3A, %swap3A_27] {strides = array<i32>} : memref<80x128xf32, #tpu.memory_space<vmem>>, vector<16xf32>,
      tpu.vector_store %arg13[%swap3A, %swap3A_27], %broadcast_in_dim3A_1 {strides = array<i32>} : memref<80x128xf32, #tpu.memory_space<vmem>>, vector<16xf32>,
      %swap3A_29 = arith.index_cast %scan3A_26 : i32 to index
      %swap3A_30 = arith.constant 16 : index
      %swap3A_31 = tpu.vector_load %arg13[%swap3A_29, %swap3A_30] {strides = array<i32>} : memref<80x128xf32, #tpu.memory_space<vmem>>, vector<16xf32>,
      tpu.vector_store %arg13[%swap3A_29, %swap3A_30], %broadcast_in_dim3A_1 {strides = array<i32>} : memref<80x128xf32, #tpu.memory_space<vmem>>, vector<16xf32>,
      %swap3A_32 = arith.index_cast %scan3A_26 : i32 to index
      %swap3A_33 = arith.constant 32 : index
      %swap3A_34 = tpu.vector_load %arg13[%swap3A_32, %swap3A_33] {strides = array<i32>} : memref<80x128xf32, #tpu.memory_space<vmem>>, vector<16xf32>,
      tpu.vector_store %arg13[%swap3A_32, %swap3A_33], %broadcast_in_dim3A_1 {strides = array<i32>} : memref<80x128xf32, #tpu.memory_space<vmem>>, vector<16xf32>,
      %swap3A_35 = arith.index_cast %scan3A_26 : i32 to index
      %swap3A_36 = arith.constant 48 : index
      %swap3A_37 = tpu.vector_load %arg13[%swap3A_35, %swap3A_36] {strides = array<i32>} : memref<80x128xf32, #tpu.memory_space<vmem>>, vector<16xf32>,
      tpu.vector_store %arg13[%swap3A_35, %swap3A_36], %broadcast_in_dim3A_1 {strides = array<i32>} : memref<80x128xf32, #tpu.memory_space<vmem>>, vector<16xf32>,
      %swap3A_38 = arith.index_cast %scan3A_26 : i32 to index
      %swap3A_39 = arith.constant 64 : index
      %swap3A_40 = tpu.vector_load %arg13[%swap3A_38, %swap3A_39] {strides = array<i32>} : memref<80x128xf32, #tpu.memory_space<vmem>>, vector<16xf32>,
      tpu.vector_store %arg13[%swap3A_38, %swap3A_39], %broadcast_in_dim3A_1 {strides = array<i32>} : memref<80x128xf32, #tpu.memory_space<vmem>>, vector<16xf32>,
      %swap3A_41 = arith.index_cast %scan3A_26 : i32 to index
      %swap3A_42 = arith.constant 80 : index
      %swap3A_43 = tpu.vector_load %arg13[%swap3A_41, %swap3A_42] {strides = array<i32>} : memref<80x128xf32, #tpu.memory_space<vmem>>, vector<16xf32>,
      tpu.vector_store %arg13[%swap3A_41, %swap3A_42], %broadcast_in_dim3A_1 {strides = array<i32>} : memref<80x128xf32, #tpu.memory_space<vmem>>, vector<16xf32>,
      %swap3A_44 = arith.index_cast %scan3A_26 : i32 to index
      %swap3A_45 = arith.constant 96 : index
      %swap3A_46 = tpu.vector_load %arg13[%swap3A_44, %swap3A_45] {strides = array<i32>} : memref<80x128xf32, #tpu.memory_space<vmem>>, vector<16xf32>,
      tpu.vector_store %arg13[%swap3A_44, %swap3A_45], %broadcast_in_dim3A_1 {strides = array<i32>} : memref<80x128xf32, #tpu.memory_space<vmem>>, vector<16xf32>,
      %swap3A_47 = arith.index_cast %scan3A_26 : i32 to index
      %swap3A_48 = arith.constant 112 : index
      %swap3A_49 = tpu.vector_load %arg13[%swap3A_47, %swap3A_48] {strides = array<i32>} : memref<80x128xf32, #tpu.memory_space<vmem>>, vector<16xf32>,
      tpu.vector_store %arg13[%swap3A_47, %swap3A_48], %broadcast_in_dim3A_1 {strides = array<i32>} : memref<80x128xf32, #tpu.memory_space<vmem>>, vector<16xf32>,
    }
    %scan3A_6 = arith.constant 80 : i32
    %scan3A_7 = arith.constant 0 : i32
    %scan3A_8 = arith.constant 0 : i32
    %scan3A_9 = arith.constant 8 : i32
    %scan3A_10 = arith.addi %scan3A_8, %scan3A_9 : i32
    %scan3A_11 = arith.constant 1 : i32
    scf.for %scan3A_26 = %scan3A_8 to %scan3A_10 step %scan3A_11  : i32 {
      %mul3A_27 = arith.constant 16 : i32
      %mul3A_28 = arith.muli %scan3A_26, %mul3A_27 : i32
      %add3A_29 = arith.addi %arg1, %mul3A_28 : i32
      %lt3A = arith.constant 125 : i32
      %lt3A_30 = arith.cmpi slt, %add3A_29, %lt3A : i32
      %convert_element_type3A = arith.extui %lt3A_30 : i1 to i32
      %cond3A = arith.constant 0 : i32
      %cond3A_31 = arith.cmpi ne, %convert_element_type3A, %cond3A : i32
      scf.if %cond3A_31 {
        %mul3A_32 = arith.constant 80 : i32
        %mul3A_33 = arith.muli %add3A_29, %mul3A_32 : i32
        "tpu.region"() ({
          %run_scoped3A = tpu.sem_alloc : memref<!tpu.dma_semaphore, #tpu.memory_space<semaphore_mem>>
          %dma_start3A = arith.constant 0 : i32
          %dma_start3A_34 = tpu.memref_slice %arg7[%mul3A_33, %dma_start3A] : memref<10000x128xf32, #tpu.memory_space<vmem_shared>> -> memref<80x128xf32, #tpu.memory_space<vmem_shared>>
          %dma_start3A_35 = arith.constant 0 : i32
          %dma_start3A_36 = tpu.memref_slice %arg7[%mul3A_33, %dma_start3A_35] : memref<10000x128xf32, #tpu.memory_space<vmem_shared>> -> memref<80x128xf32, #tpu.memory_space<vmem_shared>>
          tpu.enqueue_dma source(%arg13 : memref<80x128xf32, #tpu.memory_space<vmem>>) target(%dma_start3A_36 : memref<80x128xf32, #tpu.memory_space<vmem_shared>>) target_semaphore(%run_scoped3A : memref<!tpu.dma_semaphore, #tpu.memory_space<semaphore_mem>>)
          %dma_wait3A = arith.constant 0 : i32
          %dma_wait3A_37 = tpu.memref_slice %arg7[%mul3A_33, %dma_wait3A] : memref<10000x128xf32, #tpu.memory_space<vmem_shared>> -> memref<80x128xf32, #tpu.memory_space<vmem_shared>>
          %dma_wait3A_38 = arith.constant 0 : i32
          %dma_wait3A_39 = tpu.memref_slice %arg7[%mul3A_33, %dma_wait3A_38] : memref<10000x128xf32, #tpu.memory_space<vmem_shared>> -> memref<80x128xf32, #tpu.memory_space<vmem_shared>>
          tpu.wait_dma2 semaphore(%run_scoped3A : memref<!tpu.dma_semaphore, #tpu.memory_space<semaphore_mem>>) src(%arg13 : memref<80x128xf32, #tpu.memory_space<vmem>>) dst(%dma_wait3A_39 : memref<80x128xf32, #tpu.memory_space<vmem_shared>>)
          tpu.yield
        }) : () -> ()
      } else {
      }
    }
    %scan3A_12 = arith.constant 8 : i32
    %barrier3A = arith.constant 0 : index
    tpu.barrier barrier_id(%barrier3A)
    %scan3A_13 = arith.constant 0 : i32
    %scan3A_14 = arith.constant 0 : i32
    %scan3A_15 = arith.constant 125 : i32
    %scan3A_16 = arith.addi %scan3A_14, %scan3A_15 : i32
    %scan3A_17 = arith.constant 1 : i32
    scf.for %scan3A_26 = %scan3A_14 to %scan3A_16 step %scan3A_17  : i32 {
      %mul3A_27 = arith.constant 10000 : i32
      %mul3A_28 = arith.muli %add3A, %mul3A_27 : i32
      %mul3A_29 = arith.constant 80 : i32
      %mul3A_30 = arith.muli %scan3A_26, %mul3A_29 : i32
      %add3A_31 = arith.addi %mul3A_28, %mul3A_30 : i32
      "tpu.region"() ({
        %run_scoped3A = tpu.sem_alloc : memref<!tpu.dma_semaphore, #tpu.memory_space<semaphore_mem>>
        %dma_start3A_48 = tpu.memref_slice %arg4[%add3A_31] : memref<320000xi32, #tpu.memory_space<hbm>> -> memref<80xi32, #tpu.memory_space<hbm>>
        %dma_start3A_49 = tpu.memref_slice %arg4[%add3A_31] : memref<320000xi32, #tpu.memory_space<hbm>> -> memref<80xi32, #tpu.memory_space<hbm>>
        tpu.enqueue_dma source(%dma_start3A_49 : memref<80xi32, #tpu.memory_space<hbm>>) target(%arg8 : memref<80xi32, #tpu.memory_space<vmem>>) target_semaphore(%run_scoped3A : memref<!tpu.dma_semaphore, #tpu.memory_space<semaphore_mem>>)
        %dma_wait3A_50 = tpu.memref_slice %arg4[%add3A_31] : memref<320000xi32, #tpu.memory_space<hbm>> -> memref<80xi32, #tpu.memory_space<hbm>>
        %dma_wait3A_51 = tpu.memref_slice %arg4[%add3A_31] : memref<320000xi32, #tpu.memory_space<hbm>> -> memref<80xi32, #tpu.memory_space<hbm>>
        tpu.wait_dma2 semaphore(%run_scoped3A : memref<!tpu.dma_semaphore, #tpu.memory_space<semaphore_mem>>) src(%dma_wait3A_51 : memref<80xi32, #tpu.memory_space<hbm>>) dst(%arg8 : memref<80xi32, #tpu.memory_space<vmem>>)
        tpu.yield
      }) : () -> ()
      "tpu.region"() ({
        %run_scoped3A = tpu.sem_alloc : memref<!tpu.dma_semaphore, #tpu.memory_space<semaphore_mem>>
        %dma_start3A_48 = tpu.memref_slice %arg5[%add3A_31] : memref<320000xi32, #tpu.memory_space<hbm>> -> memref<80xi32, #tpu.memory_space<hbm>>
        %dma_start3A_49 = tpu.memref_slice %arg5[%add3A_31] : memref<320000xi32, #tpu.memory_space<hbm>> -> memref<80xi32, #tpu.memory_space<hbm>>
        tpu.enqueue_dma source(%dma_start3A_49 : memref<80xi32, #tpu.memory_space<hbm>>) target(%arg9 : memref<80xi32, #tpu.memory_space<vmem>>) target_semaphore(%run_scoped3A : memref<!tpu.dma_semaphore, #tpu.memory_space<semaphore_mem>>)
        %dma_wait3A_50 = tpu.memref_slice %arg5[%add3A_31] : memref<320000xi32, #tpu.memory_space<hbm>> -> memref<80xi32, #tpu.memory_space<hbm>>
        %dma_wait3A_51 = tpu.memref_slice %arg5[%add3A_31] : memref<320000xi32, #tpu.memory_space<hbm>> -> memref<80xi32, #tpu.memory_space<hbm>>
        tpu.wait_dma2 semaphore(%run_scoped3A : memref<!tpu.dma_semaphore, #tpu.memory_space<semaphore_mem>>) src(%dma_wait3A_51 : memref<80xi32, #tpu.memory_space<hbm>>) dst(%arg9 : memref<80xi32, #tpu.memory_space<vmem>>)
        tpu.yield
      }) : () -> ()
      %dma_start3A = arith.constant 0 : i32
      %dma_start3A_32 = arith.constant 0 : i32
      %dma_start3A_33 = tpu.memref_slice %arg2[%dma_start3A, %dma_start3A_32] : memref<10000x128xf32, #tpu.memory_space<hbm>> -> memref<10000x128xf32, #tpu.memory_space<hbm>>
      tpu.enqueue_indirect_dma source(%dma_start3A_33 : memref<10000x128xf32, #tpu.memory_space<hbm>>) target(%arg10 : memref<80x128xf32, #tpu.memory_space<vmem>>) offsets(%arg8 : memref<80xi32, #tpu.memory_space<vmem>>) semaphore(%arg14 : memref<!tpu.dma_semaphore, #tpu.memory_space<semaphore_mem>>)
      %dma_start3A_34 = arith.constant 0 : i32
      %dma_start3A_35 = tpu.memref_slice %arg3[%add3A_31, %dma_start3A_34] : memref<320000x32xf32, #tpu.memory_space<hbm>> -> memref<80x32xf32, #tpu.memory_space<hbm>>
      %dma_start3A_36 = arith.constant 0 : i32
      %dma_start3A_37 = tpu.memref_slice %arg3[%add3A_31, %dma_start3A_36] : memref<320000x32xf32, #tpu.memory_space<hbm>> -> memref<80x32xf32, #tpu.memory_space<hbm>>
      tpu.enqueue_dma source(%dma_start3A_37 : memref<80x32xf32, #tpu.memory_space<hbm>>) target(%arg11 : memref<80x32xf32, #tpu.memory_space<vmem>>) target_semaphore(%arg14 : memref<!tpu.dma_semaphore, #tpu.memory_space<semaphore_mem>>)
      %dma_wait3A = arith.constant 0 : i32
      %dma_wait3A_38 = arith.constant 0 : i32
      %dma_wait3A_39 = tpu.memref_slice %arg2[%dma_wait3A, %dma_wait3A_38] : memref<10000x128xf32, #tpu.memory_space<hbm>> -> memref<10000x128xf32, #tpu.memory_space<hbm>>
      tpu.wait_indirect_dma semaphore(%arg14 : memref<!tpu.dma_semaphore, #tpu.memory_space<semaphore_mem>>) src(%dma_wait3A_39 : memref<10000x128xf32, #tpu.memory_space<hbm>>) dst(%arg10 : memref<80x128xf32, #tpu.memory_space<vmem>>)
      %dma_wait3A_40 = arith.constant 0 : i32
      %dma_wait3A_41 = tpu.memref_slice %arg3[%add3A_31, %dma_wait3A_40] : memref<320000x32xf32, #tpu.memory_space<hbm>> -> memref<80x32xf32, #tpu.memory_space<hbm>>
      %dma_wait3A_42 = arith.constant 0 : i32
      %dma_wait3A_43 = tpu.memref_slice %arg3[%add3A_31, %dma_wait3A_42] : memref<320000x32xf32, #tpu.memory_space<hbm>> -> memref<80x32xf32, #tpu.memory_space<hbm>>
      tpu.wait_dma2 semaphore(%arg14 : memref<!tpu.dma_semaphore, #tpu.memory_space<semaphore_mem>>) src(%dma_wait3A_43 : memref<80x32xf32, #tpu.memory_space<hbm>>) dst(%arg11 : memref<80x32xf32, #tpu.memory_space<vmem>>)
      %parallel_loop3A = arith.constant 0 : i32
      %parallel_loop3A_44 = arith.constant 80 : i32
      %parallel_loop3A_45 = arith.constant 1 : i32
      %parallel_loop3A_46 = arith.constant 0 : i32
      %parallel_loop3A_47 = scf.for %parallel_loop3A_48 = %parallel_loop3A to %parallel_loop3A_44 step %parallel_loop3A_45 iter_args(%parallel_loop3A_49 = %parallel_loop3A_46) -> (i32)  : i32 {
        %parallel_loop3A_50 = arith.index_cast %parallel_loop3A_48 : i32 to index
        %parallel_loop3A_51 = arith.constant 0 : index
        %parallel_loop3A_52 = tpu.vector_load %arg11[%parallel_loop3A_50, %parallel_loop3A_51] {strides = array<i32>} : memref<80x32xf32, #tpu.memory_space<vmem>>, vector<16xf32>,
        %parallel_loop3A_53 = arith.index_cast %parallel_loop3A_48 : i32 to index
        %parallel_loop3A_54 = arith.constant 16 : index
        %parallel_loop3A_55 = tpu.vector_load %arg11[%parallel_loop3A_53, %parallel_loop3A_54] {strides = array<i32>} : memref<80x32xf32, #tpu.memory_space<vmem>>, vector<16xf32>,
        %parallel_loop3A_56 = arith.index_cast %parallel_loop3A_48 : i32 to index
        %parallel_loop3A_57 = arith.constant 0 : index
        %parallel_loop3A_58 = tpu.vector_load %arg10[%parallel_loop3A_56, %parallel_loop3A_57] {strides = array<i32>} : memref<80x128xf32, #tpu.memory_space<vmem>>, vector<16xf32>,
        %parallel_loop3A_59 = arith.mulf %parallel_loop3A_58, %parallel_loop3A_52 : vector<16xf32>
        %parallel_loop3A_60 = arith.index_cast %parallel_loop3A_48 : i32 to index
        %parallel_loop3A_61 = arith.constant 0 : index
        %parallel_loop3A_62 = tpu.vector_load %arg12[%parallel_loop3A_60, %parallel_loop3A_61] {strides = array<i32>} : memref<80x128xf32, #tpu.memory_space<vmem>>, vector<16xf32>,
        tpu.vector_store %arg12[%parallel_loop3A_60, %parallel_loop3A_61], %parallel_loop3A_59 {strides = array<i32>} : memref<80x128xf32, #tpu.memory_space<vmem>>, vector<16xf32>,
        %parallel_loop3A_63 = arith.index_cast %parallel_loop3A_48 : i32 to index
        %parallel_loop3A_64 = arith.constant 16 : index
        %parallel_loop3A_65 = tpu.vector_load %arg10[%parallel_loop3A_63, %parallel_loop3A_64] {strides = array<i32>} : memref<80x128xf32, #tpu.memory_space<vmem>>, vector<16xf32>,
        %parallel_loop3A_66 = arith.mulf %parallel_loop3A_65, %parallel_loop3A_52 : vector<16xf32>
        %parallel_loop3A_67 = arith.index_cast %parallel_loop3A_48 : i32 to index
        %parallel_loop3A_68 = arith.constant 16 : index
        %parallel_loop3A_69 = tpu.vector_load %arg12[%parallel_loop3A_67, %parallel_loop3A_68] {strides = array<i32>} : memref<80x128xf32, #tpu.memory_space<vmem>>, vector<16xf32>,
        tpu.vector_store %arg12[%parallel_loop3A_67, %parallel_loop3A_68], %parallel_loop3A_66 {strides = array<i32>} : memref<80x128xf32, #tpu.memory_space<vmem>>, vector<16xf32>,
        %parallel_loop3A_70 = arith.index_cast %parallel_loop3A_48 : i32 to index
        %parallel_loop3A_71 = arith.constant 32 : index
        %parallel_loop3A_72 = tpu.vector_load %arg10[%parallel_loop3A_70, %parallel_loop3A_71] {strides = array<i32>} : memref<80x128xf32, #tpu.memory_space<vmem>>, vector<16xf32>,
        %parallel_loop3A_73 = arith.mulf %parallel_loop3A_72, %parallel_loop3A_52 : vector<16xf32>
        %parallel_loop3A_74 = arith.index_cast %parallel_loop3A_48 : i32 to index
        %parallel_loop3A_75 = arith.constant 32 : index
        %parallel_loop3A_76 = tpu.vector_load %arg12[%parallel_loop3A_74, %parallel_loop3A_75] {strides = array<i32>} : memref<80x128xf32, #tpu.memory_space<vmem>>, vector<16xf32>,
        tpu.vector_store %arg12[%parallel_loop3A_74, %parallel_loop3A_75], %parallel_loop3A_73 {strides = array<i32>} : memref<80x128xf32, #tpu.memory_space<vmem>>, vector<16xf32>,
        %parallel_loop3A_77 = arith.index_cast %parallel_loop3A_48 : i32 to index
        %parallel_loop3A_78 = arith.constant 48 : index
        %parallel_loop3A_79 = tpu.vector_load %arg10[%parallel_loop3A_77, %parallel_loop3A_78] {strides = array<i32>} : memref<80x128xf32, #tpu.memory_space<vmem>>, vector<16xf32>,
        %parallel_loop3A_80 = arith.mulf %parallel_loop3A_79, %parallel_loop3A_52 : vector<16xf32>
        %parallel_loop3A_81 = arith.index_cast %parallel_loop3A_48 : i32 to index
        %parallel_loop3A_82 = arith.constant 48 : index
        %parallel_loop3A_83 = tpu.vector_load %arg12[%parallel_loop3A_81, %parallel_loop3A_82] {strides = array<i32>} : memref<80x128xf32, #tpu.memory_space<vmem>>, vector<16xf32>,
        tpu.vector_store %arg12[%parallel_loop3A_81, %parallel_loop3A_82], %parallel_loop3A_80 {strides = array<i32>} : memref<80x128xf32, #tpu.memory_space<vmem>>, vector<16xf32>,
        %parallel_loop3A_84 = arith.index_cast %parallel_loop3A_48 : i32 to index
        %parallel_loop3A_85 = arith.constant 64 : index
        %parallel_loop3A_86 = tpu.vector_load %arg10[%parallel_loop3A_84, %parallel_loop3A_85] {strides = array<i32>} : memref<80x128xf32, #tpu.memory_space<vmem>>, vector<16xf32>,
        %parallel_loop3A_87 = arith.mulf %parallel_loop3A_86, %parallel_loop3A_55 : vector<16xf32>
        %parallel_loop3A_88 = arith.index_cast %parallel_loop3A_48 : i32 to index
        %parallel_loop3A_89 = arith.constant 64 : index
        %parallel_loop3A_90 = tpu.vector_load %arg12[%parallel_loop3A_88, %parallel_loop3A_89] {strides = array<i32>} : memref<80x128xf32, #tpu.memory_space<vmem>>, vector<16xf32>,
        tpu.vector_store %arg12[%parallel_loop3A_88, %parallel_loop3A_89], %parallel_loop3A_87 {strides = array<i32>} : memref<80x128xf32, #tpu.memory_space<vmem>>, vector<16xf32>,
        %parallel_loop3A_91 = arith.index_cast %parallel_loop3A_48 : i32 to index
        %parallel_loop3A_92 = arith.constant 80 : index
        %parallel_loop3A_93 = tpu.vector_load %arg10[%parallel_loop3A_91, %parallel_loop3A_92] {strides = array<i32>} : memref<80x128xf32, #tpu.memory_space<vmem>>, vector<16xf32>,
        %parallel_loop3A_94 = arith.mulf %parallel_loop3A_93, %parallel_loop3A_55 : vector<16xf32>
        %parallel_loop3A_95 = arith.index_cast %parallel_loop3A_48 : i32 to index
        %parallel_loop3A_96 = arith.constant 80 : index
        %parallel_loop3A_97 = tpu.vector_load %arg12[%parallel_loop3A_95, %parallel_loop3A_96] {strides = array<i32>} : memref<80x128xf32, #tpu.memory_space<vmem>>, vector<16xf32>,
        tpu.vector_store %arg12[%parallel_loop3A_95, %parallel_loop3A_96], %parallel_loop3A_94 {strides = array<i32>} : memref<80x128xf32, #tpu.memory_space<vmem>>, vector<16xf32>,
        %parallel_loop3A_98 = arith.index_cast %parallel_loop3A_48 : i32 to index
        %parallel_loop3A_99 = arith.constant 96 : index
        %parallel_loop3A_100 = tpu.vector_load %arg10[%parallel_loop3A_98, %parallel_loop3A_99] {strides = array<i32>} : memref<80x128xf32, #tpu.memory_space<vmem>>, vector<16xf32>,
        %parallel_loop3A_101 = arith.mulf %parallel_loop3A_100, %parallel_loop3A_55 : vector<16xf32>
        %parallel_loop3A_102 = arith.index_cast %parallel_loop3A_48 : i32 to index
        %parallel_loop3A_103 = arith.constant 96 : index
        %parallel_loop3A_104 = tpu.vector_load %arg12[%parallel_loop3A_102, %parallel_loop3A_103] {strides = array<i32>} : memref<80x128xf32, #tpu.memory_space<vmem>>, vector<16xf32>,
        tpu.vector_store %arg12[%parallel_loop3A_102, %parallel_loop3A_103], %parallel_loop3A_101 {strides = array<i32>} : memref<80x128xf32, #tpu.memory_space<vmem>>, vector<16xf32>,
        %parallel_loop3A_105 = arith.index_cast %parallel_loop3A_48 : i32 to index
        %parallel_loop3A_106 = arith.constant 112 : index
        %parallel_loop3A_107 = tpu.vector_load %arg10[%parallel_loop3A_105, %parallel_loop3A_106] {strides = array<i32>} : memref<80x128xf32, #tpu.memory_space<vmem>>, vector<16xf32>,
        %parallel_loop3A_108 = arith.mulf %parallel_loop3A_107, %parallel_loop3A_55 : vector<16xf32>
        %parallel_loop3A_109 = arith.index_cast %parallel_loop3A_48 : i32 to index
        %parallel_loop3A_110 = arith.constant 112 : index
        %parallel_loop3A_111 = tpu.vector_load %arg12[%parallel_loop3A_109, %parallel_loop3A_110] {strides = array<i32>} : memref<80x128xf32, #tpu.memory_space<vmem>>, vector<16xf32>,
        tpu.vector_store %arg12[%parallel_loop3A_109, %parallel_loop3A_110], %parallel_loop3A_108 {strides = array<i32>} : memref<80x128xf32, #tpu.memory_space<vmem>>, vector<16xf32>,
        scf.yield %parallel_loop3A_49 : i32
      } {sc.loop_unroll_factor = 8 : i64, sc.parallel_access}
      "tpu.region"() ({
        %run_scoped3A = tpu.sem_alloc : memref<!tpu.dma_semaphore, #tpu.memory_space<semaphore_mem>>
        %dma_start3A_48 = arith.constant 0 : i32
        %dma_start3A_49 = arith.constant 0 : i32
        %dma_start3A_50 = tpu.memref_slice %arg7[%dma_start3A_48, %dma_start3A_49] : memref<10000x128xf32, #tpu.memory_space<vmem_shared>> -> memref<10000x128xf32, #tpu.memory_space<vmem_shared>>
        tpu.enqueue_indirect_dma source(%arg12 : memref<80x128xf32, #tpu.memory_space<vmem>>) target(%dma_start3A_50 : memref<10000x128xf32, #tpu.memory_space<vmem_shared>>) offsets(%arg9 : memref<80xi32, #tpu.memory_space<vmem>>) semaphore(%run_scoped3A : memref<!tpu.dma_semaphore, #tpu.memory_space<semaphore_mem>>) {add = true}
        %dma_wait3A_51 = arith.constant 0 : i32
        %dma_wait3A_52 = arith.constant 0 : i32
        %dma_wait3A_53 = tpu.memref_slice %arg7[%dma_wait3A_51, %dma_wait3A_52] : memref<10000x128xf32, #tpu.memory_space<vmem_shared>> -> memref<10000x128xf32, #tpu.memory_space<vmem_shared>>
        tpu.wait_indirect_dma semaphore(%run_scoped3A : memref<!tpu.dma_semaphore, #tpu.memory_space<semaphore_mem>>) src(%arg12 : memref<80x128xf32, #tpu.memory_space<vmem>>) dst(%dma_wait3A_53 : memref<10000x128xf32, #tpu.memory_space<vmem_shared>>)
        tpu.yield
      }) : () -> ()
    }
    %scan3A_18 = arith.constant 125 : i32
    %barrier3A_19 = arith.constant 0 : index
    tpu.barrier barrier_id(%barrier3A_19)
    %scan3A_20 = arith.constant 0 : i32
    %scan3A_21 = arith.constant 0 : i32
    %scan3A_22 = arith.constant 8 : i32
    %scan3A_23 = arith.addi %scan3A_21, %scan3A_22 : i32
    %scan3A_24 = arith.constant 1 : i32
    scf.for %scan3A_26 = %scan3A_21 to %scan3A_23 step %scan3A_24  : i32 {
      %mul3A_27 = arith.constant 16 : i32
      %mul3A_28 = arith.muli %scan3A_26, %mul3A_27 : i32
      %add3A_29 = arith.addi %arg1, %mul3A_28 : i32
      %lt3A = arith.constant 125 : i32
      %lt3A_30 = arith.cmpi slt, %add3A_29, %lt3A : i32
      %convert_element_type3A = arith.extui %lt3A_30 : i1 to i32
      %cond3A = arith.constant 0 : i32
      %cond3A_31 = arith.cmpi ne, %convert_element_type3A, %cond3A : i32
      scf.if %cond3A_31 {
        %mul3A_32 = arith.constant 80 : i32
        %mul3A_33 = arith.muli %add3A_29, %mul3A_32 : i32
        %mul3A_34 = arith.constant 80 : i32
        %mul3A_35 = arith.muli %add3A_29, %mul3A_34 : i32
        "tpu.region"() ({
          %run_scoped3A = tpu.sem_alloc : memref<!tpu.dma_semaphore, #tpu.memory_space<semaphore_mem>>
          %dma_start3A = arith.constant 0 : i32
          %dma_start3A_36 = tpu.memref_slice %arg6[%arg0, %mul3A_35, %dma_start3A] : memref<2x10000x128xf32, #tpu.memory_space<hbm>> -> memref<1x80x128xf32, #tpu.memory_space<hbm>>
          %dma_start3A_37 = tpu.memref_squeeze %dma_start3A_36 : memref<1x80x128xf32, #tpu.memory_space<hbm>> -> memref<80x128xf32, #tpu.memory_space<hbm>>
          %dma_start3A_38 = arith.constant 0 : i32
          %dma_start3A_39 = tpu.memref_slice %arg7[%mul3A_33, %dma_start3A_38] : memref<10000x128xf32, #tpu.memory_space<vmem_shared>> -> memref<80x128xf32, #tpu.memory_space<vmem_shared>>
          tpu.enqueue_dma source(%dma_start3A_39 : memref<80x128xf32, #tpu.memory_space<vmem_shared>>) target(%dma_start3A_37 : memref<80x128xf32, #tpu.memory_space<hbm>>) target_semaphore(%run_scoped3A : memref<!tpu.dma_semaphore, #tpu.memory_space<semaphore_mem>>)
          %dma_wait3A = arith.constant 0 : i32
          %dma_wait3A_40 = tpu.memref_slice %arg6[%arg0, %mul3A_35, %dma_wait3A] : memref<2x10000x128xf32, #tpu.memory_space<hbm>> -> memref<1x80x128xf32, #tpu.memory_space<hbm>>
          %dma_wait3A_41 = tpu.memref_squeeze %dma_wait3A_40 : memref<1x80x128xf32, #tpu.memory_space<hbm>> -> memref<80x128xf32, #tpu.memory_space<hbm>>
          %dma_wait3A_42 = arith.constant 0 : i32
          %dma_wait3A_43 = tpu.memref_slice %arg7[%mul3A_33, %dma_wait3A_42] : memref<10000x128xf32, #tpu.memory_space<vmem_shared>> -> memref<80x128xf32, #tpu.memory_space<vmem_shared>>
          tpu.wait_dma2 semaphore(%run_scoped3A : memref<!tpu.dma_semaphore, #tpu.memory_space<semaphore_mem>>) src(%dma_wait3A_43 : memref<80x128xf32, #tpu.memory_space<vmem_shared>>) dst(%dma_wait3A_41 : memref<80x128xf32, #tpu.memory_space<hbm>>)
          tpu.yield
        }) : () -> ()
      } else {
      }
    }
    %scan3A_25 = arith.constant 8 : i32
    return
  }
}

module attributes {stable_mosaic.version = 14 : i64} {
  func.func @_p1_body(%arg0: i32, %arg1: memref<2000x128xf32, #tpu.memory_space<vmem>>, %arg2: memref<2000x1xf32, #tpu.memory_space<vmem>>, %arg3: memref<128x128xf32, #tpu.memory_space<vmem>>, %arg4: memref<128x128xf32, #tpu.memory_space<vmem>>, %arg5: memref<128x128xf32, #tpu.memory_space<vmem>>, %arg6: memref<128x128xf32, #tpu.memory_space<vmem>>, %arg7: memref<1x128xf32, #tpu.memory_space<vmem>>, %arg8: memref<1x128xf32, #tpu.memory_space<vmem>>, %arg9: memref<1x128xf32, #tpu.memory_space<vmem>>, %arg10: memref<1x128xf32, #tpu.memory_space<vmem>>, %arg11: memref<1x16xf32, #tpu.memory_space<vmem>>, %arg12: memref<128x64xf32, #tpu.memory_space<vmem>>, %arg13: memref<2000x160xf32, #tpu.memory_space<vmem>>, %arg14: memref<2000x128xf32, #tpu.memory_space<vmem>>, %arg15: memref<2000x192xf32, #tpu.memory_space<vmem>>, %arg16: memref<2000x128xf32, #tpu.memory_space<vmem>>) attributes {dimension_semantics = [#tpu.dimension_semantics<arbitrary>], iteration_bounds = array<i64: 5>, scalar_prefetch = 0 : i64, scratch_operands = 0 : i64, tpu.core_type = #tpu.core_type<tc>, window_params = [{transform_indices = @transform_0, window_bounds = array<i64: 2000, 128>}, {transform_indices = @transform_1, window_bounds = array<i64: 2000, 1>}, {pipeline_mode = #tpu.pipeline_mode<synchronous>, transform_indices = @transform_2, window_bounds = array<i64: 128, 128>}, {pipeline_mode = #tpu.pipeline_mode<synchronous>, transform_indices = @transform_3, window_bounds = array<i64: 128, 128>}, {pipeline_mode = #tpu.pipeline_mode<synchronous>, transform_indices = @transform_4, window_bounds = array<i64: 128, 128>}, {pipeline_mode = #tpu.pipeline_mode<synchronous>, transform_indices = @transform_5, window_bounds = array<i64: 128, 128>}, {pipeline_mode = #tpu.pipeline_mode<synchronous>, transform_indices = @transform_6, window_bounds = array<i64: 1, 128>}, {pipeline_mode = #tpu.pipeline_mode<synchronous>, transform_indices = @transform_7, window_bounds = array<i64: 1, 128>}, {pipeline_mode = #tpu.pipeline_mode<synchronous>, transform_indices = @transform_8, window_bounds = array<i64: 1, 128>}, {pipeline_mode = #tpu.pipeline_mode<synchronous>, transform_indices = @transform_9, window_bounds = array<i64: 1, 128>}, {pipeline_mode = #tpu.pipeline_mode<synchronous>, transform_indices = @transform_10, window_bounds = array<i64: 1, 16>}, {pipeline_mode = #tpu.pipeline_mode<synchronous>, transform_indices = @transform_11, window_bounds = array<i64: 128, 64>}, {transform_indices = @transform_12, window_bounds = array<i64: 2000, 160>}, {transform_indices = @transform_13, window_bounds = array<i64: 2000, 128>}, {transform_indices = @transform_14, window_bounds = array<i64: 2000, 192>}, {transform_indices = @transform_15, window_bounds = array<i64: 2000, 128>}]} {
    %get3A = arith.constant 0 : index
    %get3A_0 = arith.constant 0 : index
    %get3A_1 = vector.load %arg1[%get3A, %get3A_0] : memref<2000x128xf32, #tpu.memory_space<vmem>>, vector<2000x128xf32>
    %get3A_2 = arith.constant 0 : index
    %get3A_3 = arith.constant 0 : index
    %get3A_4 = vector.load %arg4[%get3A_2, %get3A_3] : memref<128x128xf32, #tpu.memory_space<vmem>>, vector<128x128xf32>
    %dot_general3A = arith.constant dense<0.000000e+00> : vector<2000x128xf32>
    %dot_general3A_5 = tpu.matmul %get3A_1, %get3A_4, %dot_general3A {dimension_numbers = #tpu.dot_dimension_numbers<[1], [1], [0], [0], [0, 0, 1, 0], [], []>, precision = #tpu.contract_precision<fp32>, transpose_lhs_hint = false} : vector<2000x128xf32>, vector<128x128xf32>, vector<2000x128xf32> -> vector<2000x128xf32>
    %get3A_6 = arith.constant 0 : index
    %get3A_7 = arith.constant 0 : index
    %get3A_8 = vector.load %arg8[%get3A_6, %get3A_7] : memref<1x128xf32, #tpu.memory_space<vmem>>, vector<1x128xf32>
    %add3A = vector.broadcast %get3A_8 : vector<1x128xf32> to vector<2000x128xf32>
    %add3A_9 = arith.addf %dot_general3A_5, %add3A : vector<2000x128xf32>
    %get3A_10 = arith.constant 0 : index
    %get3A_11 = arith.constant 0 : index
    %get3A_12 = vector.load %arg5[%get3A_10, %get3A_11] : memref<128x128xf32, #tpu.memory_space<vmem>>, vector<128x128xf32>
    %dot_general3A_13 = arith.constant dense<0.000000e+00> : vector<2000x128xf32>
    %dot_general3A_14 = tpu.matmul %get3A_1, %get3A_12, %dot_general3A_13 {dimension_numbers = #tpu.dot_dimension_numbers<[1], [1], [0], [0], [0, 0, 1, 0], [], []>, precision = #tpu.contract_precision<fp32>, transpose_lhs_hint = false} : vector<2000x128xf32>, vector<128x128xf32>, vector<2000x128xf32> -> vector<2000x128xf32>
    %get3A_15 = arith.constant 0 : index
    %get3A_16 = arith.constant 0 : index
    %get3A_17 = vector.load %arg9[%get3A_15, %get3A_16] : memref<1x128xf32, #tpu.memory_space<vmem>>, vector<1x128xf32>
    %add3A_18 = vector.broadcast %get3A_17 : vector<1x128xf32> to vector<2000x128xf32>
    %add3A_19 = arith.addf %dot_general3A_14, %add3A_18 : vector<2000x128xf32>
    %swap3A = arith.constant 0 : index
    %swap3A_20 = arith.constant 0 : index
    %swap3A_21 = vector.load %arg14[%swap3A, %swap3A_20] : memref<2000x128xf32, #tpu.memory_space<vmem>>, vector<2000x128xf32>
    tpu.vector_store %arg14[%swap3A, %swap3A_20], %add3A_19 {strides = array<i32>} : memref<2000x128xf32, #tpu.memory_space<vmem>>, vector<2000x128xf32>,
    %get3A_22 = arith.constant 0 : index
    %get3A_23 = arith.constant 0 : index
    %get3A_24 = vector.load %arg3[%get3A_22, %get3A_23] : memref<128x128xf32, #tpu.memory_space<vmem>>, vector<128x128xf32>
    %dot_general3A_25 = arith.constant dense<0.000000e+00> : vector<2000x128xf32>
    %dot_general3A_26 = tpu.matmul %get3A_1, %get3A_24, %dot_general3A_25 {dimension_numbers = #tpu.dot_dimension_numbers<[1], [1], [0], [0], [0, 0, 1, 0], [], []>, precision = #tpu.contract_precision<fp32>, transpose_lhs_hint = false} : vector<2000x128xf32>, vector<128x128xf32>, vector<2000x128xf32> -> vector<2000x128xf32>
    %get3A_27 = arith.constant 0 : index
    %get3A_28 = arith.constant 0 : index
    %get3A_29 = vector.load %arg7[%get3A_27, %get3A_28] : memref<1x128xf32, #tpu.memory_space<vmem>>, vector<1x128xf32>
    %add3A_30 = vector.broadcast %get3A_29 : vector<1x128xf32> to vector<2000x128xf32>
    %add3A_31 = arith.addf %dot_general3A_26, %add3A_30 : vector<2000x128xf32>
    %mul3A = arith.constant 1.250000e-01 : f32
    %mul3A_32 = vector.broadcast %mul3A : f32 to vector<2000x128xf32>
    %mul3A_33 = arith.mulf %add3A_31, %mul3A_32 : vector<2000x128xf32>
    %get3A_34 = arith.constant 0 : index
    %get3A_35 = arith.constant 0 : index
    %get3A_36 = vector.load %arg6[%get3A_34, %get3A_35] : memref<128x128xf32, #tpu.memory_space<vmem>>, vector<128x128xf32>
    %dot_general3A_37 = arith.constant dense<0.000000e+00> : vector<2000x128xf32>
    %dot_general3A_38 = tpu.matmul %get3A_1, %get3A_36, %dot_general3A_37 {dimension_numbers = #tpu.dot_dimension_numbers<[1], [1], [0], [0], [0, 0, 1, 0], [], []>, precision = #tpu.contract_precision<fp32>, transpose_lhs_hint = false} : vector<2000x128xf32>, vector<128x128xf32>, vector<2000x128xf32> -> vector<2000x128xf32>
    %get3A_39 = arith.constant 0 : index
    %get3A_40 = arith.constant 0 : index
    %get3A_41 = vector.load %arg10[%get3A_39, %get3A_40] : memref<1x128xf32, #tpu.memory_space<vmem>>, vector<1x128xf32>
    %add3A_42 = vector.broadcast %get3A_41 : vector<1x128xf32> to vector<2000x128xf32>
    %add3A_43 = arith.addf %dot_general3A_38, %add3A_42 : vector<2000x128xf32>
    %swap3A_44 = arith.constant 0 : index
    %swap3A_45 = arith.constant 0 : index
    %swap3A_46 = vector.load %arg16[%swap3A_44, %swap3A_45] : memref<2000x128xf32, #tpu.memory_space<vmem>>, vector<2000x128xf32>
    tpu.vector_store %arg16[%swap3A_44, %swap3A_45], %add3A_43 {strides = array<i32>} : memref<2000x128xf32, #tpu.memory_space<vmem>>, vector<2000x128xf32>,
    %get3A_47 = arith.constant 0 : index
    %get3A_48 = arith.constant 0 : index
    %get3A_49 = vector.load %arg12[%get3A_47, %get3A_48] : memref<128x64xf32, #tpu.memory_space<vmem>>, vector<128x64xf32>
    %dot_general3A_50 = arith.constant dense<0.000000e+00> : vector<2000x64xf32>
    %dot_general3A_51 = tpu.matmul %mul3A_33, %get3A_49, %dot_general3A_50 {dimension_numbers = #tpu.dot_dimension_numbers<[1], [0], [0], [1], [0, 0, 1, 1], [], []>, precision = #tpu.contract_precision<fp32>, transpose_lhs_hint = false} : vector<2000x128xf32>, vector<128x64xf32>, vector<2000x64xf32> -> vector<2000x64xf32>
    %get3A_52 = arith.constant 0 : index
    %get3A_53 = arith.constant 0 : index
    %get3A_54 = vector.load %arg2[%get3A_52, %get3A_53] : memref<2000x1xf32, #tpu.memory_space<vmem>>, vector<2000x1xf32>
    %get3A_55 = arith.constant 0 : index
    %get3A_56 = arith.constant 0 : index
    %get3A_57 = vector.load %arg11[%get3A_55, %get3A_56] : memref<1x16xf32, #tpu.memory_space<vmem>>, vector<1x16xf32>
    %mul3A_58 = vector.broadcast %get3A_54 : vector<2000x1xf32> to vector<2000x16xf32>
    %mul3A_59 = vector.broadcast %get3A_57 : vector<1x16xf32> to vector<2000x16xf32>
    %mul3A_60 = arith.mulf %mul3A_58, %mul3A_59 : vector<2000x16xf32>
    %cos3A = math.cos %mul3A_60 : vector<2000x16xf32>
    %sin3A = math.sin %mul3A_60 : vector<2000x16xf32>
    %concatenate3A = tpu.concatenate %add3A_9, %cos3A, %sin3A in 1 : vector<2000x128xf32>, vector<2000x16xf32>, vector<2000x16xf32> -> vector<2000x160xf32>
    %swap3A_61 = arith.constant 0 : index
    %swap3A_62 = arith.constant 0 : index
    %swap3A_63 = vector.load %arg13[%swap3A_61, %swap3A_62] : memref<2000x160xf32, #tpu.memory_space<vmem>>, vector<2000x160xf32>
    tpu.vector_store %arg13[%swap3A_61, %swap3A_62], %concatenate3A {strides = array<i32>} : memref<2000x160xf32, #tpu.memory_space<vmem>>, vector<2000x160xf32>,
    %concatenate3A_64 = tpu.concatenate %mul3A_33, %dot_general3A_51 in 1 : vector<2000x128xf32>, vector<2000x64xf32> -> vector<2000x192xf32>
    %swap3A_65 = arith.constant 0 : index
    %swap3A_66 = arith.constant 0 : index
    %swap3A_67 = vector.load %arg15[%swap3A_65, %swap3A_66] : memref<2000x192xf32, #tpu.memory_space<vmem>>, vector<2000x192xf32>
    tpu.vector_store %arg15[%swap3A_65, %swap3A_66], %concatenate3A_64 {strides = array<i32>} : memref<2000x192xf32, #tpu.memory_space<vmem>>, vector<2000x192xf32>,
    return
  }
  func.func @transform_0(%arg0: i32) -> (i32, i32) {
    %c0_i32 = arith.constant 0 : i32
    %c0_i32_0 = arith.constant 0 : i32
    return %arg0, %c0_i32 : i32, i32
  }
  func.func @transform_1(%arg0: i32) -> (i32, i32) {
    %c0_i32 = arith.constant 0 : i32
    %c0_i32_0 = arith.constant 0 : i32
    return %arg0, %c0_i32 : i32, i32
  }
  func.func @transform_2(%arg0: i32) -> (i32, i32) {
    %c0_i32 = arith.constant 0 : i32
    %c0_i32_0 = arith.constant 0 : i32
    %c0_i32_1 = arith.constant 0 : i32
    return %c0_i32, %c0_i32_0 : i32, i32
  }
  func.func @transform_3(%arg0: i32) -> (i32, i32) {
    %c0_i32 = arith.constant 0 : i32
    %c0_i32_0 = arith.constant 0 : i32
    %c0_i32_1 = arith.constant 0 : i32
    return %c0_i32, %c0_i32_0 : i32, i32
  }
  func.func @transform_4(%arg0: i32) -> (i32, i32) {
    %c0_i32 = arith.constant 0 : i32
    %c0_i32_0 = arith.constant 0 : i32
    %c0_i32_1 = arith.constant 0 : i32
    return %c0_i32, %c0_i32_0 : i32, i32
  }
  func.func @transform_5(%arg0: i32) -> (i32, i32) {
    %c0_i32 = arith.constant 0 : i32
    %c0_i32_0 = arith.constant 0 : i32
    %c0_i32_1 = arith.constant 0 : i32
    return %c0_i32, %c0_i32_0 : i32, i32
  }
  func.func @transform_6(%arg0: i32) -> (i32, i32) {
    %c0_i32 = arith.constant 0 : i32
    %c0_i32_0 = arith.constant 0 : i32
    %c0_i32_1 = arith.constant 0 : i32
    return %c0_i32, %c0_i32_0 : i32, i32
  }
  func.func @transform_7(%arg0: i32) -> (i32, i32) {
    %c0_i32 = arith.constant 0 : i32
    %c0_i32_0 = arith.constant 0 : i32
    %c0_i32_1 = arith.constant 0 : i32
    return %c0_i32, %c0_i32_0 : i32, i32
  }
  func.func @transform_8(%arg0: i32) -> (i32, i32) {
    %c0_i32 = arith.constant 0 : i32
    %c0_i32_0 = arith.constant 0 : i32
    %c0_i32_1 = arith.constant 0 : i32
    return %c0_i32, %c0_i32_0 : i32, i32
  }
  func.func @transform_9(%arg0: i32) -> (i32, i32) {
    %c0_i32 = arith.constant 0 : i32
    %c0_i32_0 = arith.constant 0 : i32
    %c0_i32_1 = arith.constant 0 : i32
    return %c0_i32, %c0_i32_0 : i32, i32
  }
  func.func @transform_10(%arg0: i32) -> (i32, i32) {
    %c0_i32 = arith.constant 0 : i32
    %c0_i32_0 = arith.constant 0 : i32
    %c0_i32_1 = arith.constant 0 : i32
    return %c0_i32, %c0_i32_0 : i32, i32
  }
  func.func @transform_11(%arg0: i32) -> (i32, i32) {
    %c0_i32 = arith.constant 0 : i32
    %c0_i32_0 = arith.constant 0 : i32
    %c0_i32_1 = arith.constant 0 : i32
    return %c0_i32, %c0_i32_0 : i32, i32
  }
  func.func @transform_12(%arg0: i32) -> (i32, i32) {
    %c0_i32 = arith.constant 0 : i32
    %c0_i32_0 = arith.constant 0 : i32
    return %arg0, %c0_i32 : i32, i32
  }
  func.func @transform_13(%arg0: i32) -> (i32, i32) {
    %c0_i32 = arith.constant 0 : i32
    %c0_i32_0 = arith.constant 0 : i32
    return %arg0, %c0_i32 : i32, i32
  }
  func.func @transform_14(%arg0: i32) -> (i32, i32) {
    %c0_i32 = arith.constant 0 : i32
    %c0_i32_0 = arith.constant 0 : i32
    return %arg0, %c0_i32 : i32, i32
  }
  func.func @transform_15(%arg0: i32) -> (i32, i32) {
    %c0_i32 = arith.constant 0 : i32
    %c0_i32_0 = arith.constant 0 : i32
    return %arg0, %c0_i32 : i32, i32
  }
}

module attributes {stable_mosaic.version = 14 : i64} {
  func.func @_pc_body(%arg0: i32, %arg1: memref<4000x1xf32, #tpu.memory_space<vmem>>, %arg2: memref<4000x16xf32, #tpu.memory_space<vmem>>, %arg3: memref<1x16xf32, #tpu.memory_space<vmem>>, %arg4: memref<1x16xf32, #tpu.memory_space<vmem>>, %arg5: memref<4000x48xf32, #tpu.memory_space<vmem>>) attributes {dimension_semantics = [#tpu.dimension_semantics<arbitrary>], iteration_bounds = array<i64: 80>, scalar_prefetch = 0 : i64, scratch_operands = 0 : i64, tpu.core_type = #tpu.core_type<tc>, window_params = [{transform_indices = @transform_0, window_bounds = array<i64: 4000, 1>}, {transform_indices = @transform_1, window_bounds = array<i64: 4000, 16>}, {pipeline_mode = #tpu.pipeline_mode<synchronous>, transform_indices = @transform_2, window_bounds = array<i64: 1, 16>}, {pipeline_mode = #tpu.pipeline_mode<synchronous>, transform_indices = @transform_3, window_bounds = array<i64: 1, 16>}, {transform_indices = @transform_4, window_bounds = array<i64: 4000, 48>}]} {
    %get3A = arith.constant 0 : index
    %get3A_0 = arith.constant 0 : index
    %get3A_1 = vector.load %arg1[%get3A, %get3A_0] : memref<4000x1xf32, #tpu.memory_space<vmem>>, vector<4000x1xf32>
    %get3A_2 = arith.constant 0 : index
    %get3A_3 = arith.constant 0 : index
    %get3A_4 = vector.load %arg3[%get3A_2, %get3A_3] : memref<1x16xf32, #tpu.memory_space<vmem>>, vector<1x16xf32>
    %mul3A = vector.broadcast %get3A_1 : vector<4000x1xf32> to vector<4000x16xf32>
    %mul3A_5 = vector.broadcast %get3A_4 : vector<1x16xf32> to vector<4000x16xf32>
    %mul3A_6 = arith.mulf %mul3A, %mul3A_5 : vector<4000x16xf32>
    %get3A_7 = arith.constant 0 : index
    %get3A_8 = arith.constant 0 : index
    %get3A_9 = vector.load %arg4[%get3A_7, %get3A_8] : memref<1x16xf32, #tpu.memory_space<vmem>>, vector<1x16xf32>
    %add3A = vector.broadcast %get3A_9 : vector<1x16xf32> to vector<4000x16xf32>
    %add3A_10 = arith.addf %mul3A_6, %add3A : vector<4000x16xf32>
    %cos3A = math.cos %add3A_10 : vector<4000x16xf32>
    %sin3A = math.sin %add3A_10 : vector<4000x16xf32>
    %get3A_11 = arith.constant 0 : index
    %get3A_12 = arith.constant 0 : index
    %get3A_13 = vector.load %arg2[%get3A_11, %get3A_12] : memref<4000x16xf32, #tpu.memory_space<vmem>>, vector<4000x16xf32>
    %concatenate3A = tpu.concatenate %cos3A, %sin3A, %get3A_13 in 1 : vector<4000x16xf32>, vector<4000x16xf32>, vector<4000x16xf32> -> vector<4000x48xf32>
    %swap3A = arith.constant 0 : index
    %swap3A_14 = arith.constant 0 : index
    %swap3A_15 = vector.load %arg5[%swap3A, %swap3A_14] : memref<4000x48xf32, #tpu.memory_space<vmem>>, vector<4000x48xf32>
    tpu.vector_store %arg5[%swap3A, %swap3A_14], %concatenate3A {strides = array<i32>} : memref<4000x48xf32, #tpu.memory_space<vmem>>, vector<4000x48xf32>,
    return
  }
  func.func @transform_0(%arg0: i32) -> (i32, i32) {
    %c0_i32 = arith.constant 0 : i32
    %c0_i32_0 = arith.constant 0 : i32
    return %arg0, %c0_i32 : i32, i32
  }
  func.func @transform_1(%arg0: i32) -> (i32, i32) {
    %c0_i32 = arith.constant 0 : i32
    %c0_i32_0 = arith.constant 0 : i32
    return %arg0, %c0_i32 : i32, i32
  }
  func.func @transform_2(%arg0: i32) -> (i32, i32) {
    %c0_i32 = arith.constant 0 : i32
    %c0_i32_0 = arith.constant 0 : i32
    %c0_i32_1 = arith.constant 0 : i32
    return %c0_i32, %c0_i32_0 : i32, i32
  }
  func.func @transform_3(%arg0: i32) -> (i32, i32) {
    %c0_i32 = arith.constant 0 : i32
    %c0_i32_0 = arith.constant 0 : i32
    %c0_i32_1 = arith.constant 0 : i32
    return %c0_i32, %c0_i32_0 : i32, i32
  }
  func.func @transform_4(%arg0: i32) -> (i32, i32) {
    %c0_i32 = arith.constant 0 : i32
    %c0_i32_0 = arith.constant 0 : i32
    return %arg0, %c0_i32 : i32, i32
  }
}

module attributes {stable_mosaic.version = 14 : i64} {
  func.func @_pe_body(%arg0: i32, %arg1: memref<2x2000x80xf32, #tpu.memory_space<vmem>>, %arg2: memref<2x2000x128xf32, #tpu.memory_space<vmem>>, %arg3: memref<2000x128xf32, #tpu.memory_space<vmem>>, %arg4: memref<32x64xf32, #tpu.memory_space<vmem>>, %arg5: memref<32x64xf32, #tpu.memory_space<vmem>>, %arg6: memref<2000x128xf32, #tpu.memory_space<vmem>>) attributes {dimension_semantics = [#tpu.dimension_semantics<arbitrary>], iteration_bounds = array<i64: 5>, scalar_prefetch = 0 : i64, scratch_operands = 0 : i64, tpu.core_type = #tpu.core_type<tc>, window_params = [{transform_indices = @transform_0, window_bounds = array<i64: 2, 2000, 80>}, {transform_indices = @transform_1, window_bounds = array<i64: 2, 2000, 128>}, {transform_indices = @transform_2, window_bounds = array<i64: 2000, 128>}, {pipeline_mode = #tpu.pipeline_mode<synchronous>, transform_indices = @transform_3, window_bounds = array<i64: 32, 64>}, {pipeline_mode = #tpu.pipeline_mode<synchronous>, transform_indices = @transform_4, window_bounds = array<i64: 32, 64>}, {transform_indices = @transform_5, window_bounds = array<i64: 2000, 128>}]} {
    %get3A = arith.constant 0 : index
    %get3A_0 = arith.constant 0 : index
    %get3A_1 = arith.constant 0 : index
    %get3A_2 = vector.load %arg1[%get3A, %get3A_0, %get3A_1] : memref<2x2000x80xf32, #tpu.memory_space<vmem>>, vector<1x2000x80xf32>
    %get3A_3 = vector.shape_cast %get3A_2 : vector<1x2000x80xf32> to vector<2000x80xf32>
    %get3A_4 = arith.constant 1 : index
    %get3A_5 = arith.constant 0 : index
    %get3A_6 = arith.constant 0 : index
    %get3A_7 = vector.load %arg1[%get3A_4, %get3A_5, %get3A_6] : memref<2x2000x80xf32, #tpu.memory_space<vmem>>, vector<1x2000x80xf32>
    %get3A_8 = vector.shape_cast %get3A_7 : vector<1x2000x80xf32> to vector<2000x80xf32>
    %add3A = arith.addf %get3A_3, %get3A_8 : vector<2000x80xf32>
    %get3A_9 = arith.constant 0 : index
    %get3A_10 = arith.constant 0 : index
    %get3A_11 = arith.constant 0 : index
    %get3A_12 = vector.load %arg2[%get3A_9, %get3A_10, %get3A_11] : memref<2x2000x128xf32, #tpu.memory_space<vmem>>, vector<1x2000x128xf32>
    %get3A_13 = vector.shape_cast %get3A_12 : vector<1x2000x128xf32> to vector<2000x128xf32>
    %get3A_14 = arith.constant 1 : index
    %get3A_15 = arith.constant 0 : index
    %get3A_16 = arith.constant 0 : index
    %get3A_17 = vector.load %arg2[%get3A_14, %get3A_15, %get3A_16] : memref<2x2000x128xf32, #tpu.memory_space<vmem>>, vector<1x2000x128xf32>
    %get3A_18 = vector.shape_cast %get3A_17 : vector<1x2000x128xf32> to vector<2000x128xf32>
    %add3A_19 = arith.addf %get3A_13, %get3A_18 : vector<2000x128xf32>
    %slice3A = vector.extract_strided_slice %add3A {offsets = [0, 0], sizes = [2000, 32], strides = [1, 1]} : vector<2000x80xf32> to vector<2000x32xf32>
    %get3A_20 = arith.constant 0 : index
    %get3A_21 = arith.constant 0 : index
    %get3A_22 = vector.load %arg4[%get3A_20, %get3A_21] : memref<32x64xf32, #tpu.memory_space<vmem>>, vector<32x64xf32>
    %dot_general3A = arith.constant dense<0.000000e+00> : vector<2000x64xf32>
    %dot_general3A_23 = tpu.matmul %slice3A, %get3A_22, %dot_general3A {dimension_numbers = #tpu.dot_dimension_numbers<[1], [0], [0], [1], [0, 0, 1, 1], [], []>, precision = #tpu.contract_precision<fp32>, transpose_lhs_hint = false} : vector<2000x32xf32>, vector<32x64xf32>, vector<2000x64xf32> -> vector<2000x64xf32>
    %slice3A_24 = vector.extract_strided_slice %add3A {offsets = [0, 32], sizes = [2000, 32], strides = [1, 1]} : vector<2000x80xf32> to vector<2000x32xf32>
    %get3A_25 = arith.constant 0 : index
    %get3A_26 = arith.constant 0 : index
    %get3A_27 = vector.load %arg5[%get3A_25, %get3A_26] : memref<32x64xf32, #tpu.memory_space<vmem>>, vector<32x64xf32>
    %dot_general3A_28 = arith.constant dense<0.000000e+00> : vector<2000x64xf32>
    %dot_general3A_29 = tpu.matmul %slice3A_24, %get3A_27, %dot_general3A_28 {dimension_numbers = #tpu.dot_dimension_numbers<[1], [0], [0], [1], [0, 0, 1, 1], [], []>, precision = #tpu.contract_precision<fp32>, transpose_lhs_hint = false} : vector<2000x32xf32>, vector<32x64xf32>, vector<2000x64xf32> -> vector<2000x64xf32>
    %slice3A_30 = vector.extract_strided_slice %add3A {offsets = [0, 64], sizes = [2000, 1], strides = [1, 1]} : vector<2000x80xf32> to vector<2000x1xf32>
    %add3A_31 = arith.constant 1.000000e-16 : f32
    %add3A_32 = vector.broadcast %add3A_31 : f32 to vector<2000x1xf32>
    %add3A_33 = arith.addf %slice3A_30, %add3A_32 : vector<2000x1xf32>
    %slice3A_34 = vector.extract_strided_slice %add3A {offsets = [0, 65], sizes = [2000, 1], strides = [1, 1]} : vector<2000x80xf32> to vector<2000x1xf32>
    %add3A_35 = arith.constant 1.000000e-16 : f32
    %add3A_36 = vector.broadcast %add3A_35 : f32 to vector<2000x1xf32>
    %add3A_37 = arith.addf %slice3A_34, %add3A_36 : vector<2000x1xf32>
    %slice3A_38 = vector.extract_strided_slice %add3A_19 {offsets = [0, 0], sizes = [2000, 64], strides = [1, 1]} : vector<2000x128xf32> to vector<2000x64xf32>
    %add3A_39 = arith.addf %slice3A_38, %dot_general3A_23 : vector<2000x64xf32>
    %div3A = vector.broadcast %add3A_33 : vector<2000x1xf32> to vector<2000x64xf32>
    %div3A_40 = arith.divf %add3A_39, %div3A : vector<2000x64xf32>
    %slice3A_41 = vector.extract_strided_slice %add3A_19 {offsets = [0, 64], sizes = [2000, 64], strides = [1, 1]} : vector<2000x128xf32> to vector<2000x64xf32>
    %add3A_42 = arith.addf %slice3A_41, %dot_general3A_29 : vector<2000x64xf32>
    %div3A_43 = vector.broadcast %add3A_37 : vector<2000x1xf32> to vector<2000x64xf32>
    %div3A_44 = arith.divf %add3A_42, %div3A_43 : vector<2000x64xf32>
    %concatenate3A = tpu.concatenate %div3A_40, %div3A_44 in 1 : vector<2000x64xf32>, vector<2000x64xf32> -> vector<2000x128xf32>
    %get3A_45 = arith.constant 0 : index
    %get3A_46 = arith.constant 0 : index
    %get3A_47 = vector.load %arg3[%get3A_45, %get3A_46] : memref<2000x128xf32, #tpu.memory_space<vmem>>, vector<2000x128xf32>
    %add3A_48 = arith.addf %concatenate3A, %get3A_47 : vector<2000x128xf32>
    %swap3A = arith.constant 0 : index
    %swap3A_49 = arith.constant 0 : index
    %swap3A_50 = vector.load %arg6[%swap3A, %swap3A_49] : memref<2000x128xf32, #tpu.memory_space<vmem>>, vector<2000x128xf32>
    tpu.vector_store %arg6[%swap3A, %swap3A_49], %add3A_48 {strides = array<i32>} : memref<2000x128xf32, #tpu.memory_space<vmem>>, vector<2000x128xf32>,
    return
  }
  func.func @transform_0(%arg0: i32) -> (i32, i32, i32) {
    %c0_i32 = arith.constant 0 : i32
    %c0_i32_0 = arith.constant 0 : i32
    %c0_i32_1 = arith.constant 0 : i32
    return %c0_i32, %arg0, %c0_i32_0 : i32, i32, i32
  }
  func.func @transform_1(%arg0: i32) -> (i32, i32, i32) {
    %c0_i32 = arith.constant 0 : i32
    %c0_i32_0 = arith.constant 0 : i32
    %c0_i32_1 = arith.constant 0 : i32
    return %c0_i32, %arg0, %c0_i32_0 : i32, i32, i32
  }
  func.func @transform_2(%arg0: i32) -> (i32, i32) {
    %c0_i32 = arith.constant 0 : i32
    %c0_i32_0 = arith.constant 0 : i32
    return %arg0, %c0_i32 : i32, i32
  }
  func.func @transform_3(%arg0: i32) -> (i32, i32) {
    %c0_i32 = arith.constant 0 : i32
    %c0_i32_0 = arith.constant 0 : i32
    %c0_i32_1 = arith.constant 0 : i32
    return %c0_i32, %c0_i32_0 : i32, i32
  }
  func.func @transform_4(%arg0: i32) -> (i32, i32) {
    %c0_i32 = arith.constant 0 : i32
    %c0_i32_0 = arith.constant 0 : i32
    %c0_i32_1 = arith.constant 0 : i32
    return %c0_i32, %c0_i32_0 : i32, i32
  }
  func.func @transform_5(%arg0: i32) -> (i32, i32) {
    %c0_i32 = arith.constant 0 : i32
    %c0_i32_0 = arith.constant 0 : i32
    return %arg0, %c0_i32 : i32, i32
  }
}

</mosaic_0001>

<sc_bundles>
// kernel: kernel.10.cloned.1.call-start
scs
__scs_entry_jumppad:
0x0: {  	(pc) =	sbr.rel $0x88, $3  }
0x1: {  	(tag) =	ssettag $0x0;
	lr =	simm.s32 $0x1  }
0x2: {  	[smem:$0x3F91] =	sst lr;
	_ =	strace $0xD0000000  }
0x3: {  	_ = 	snop  }
0x4: {  	_ = 	snop  }
0x5: {  	_ = 	snop  }
0x6: {  	_ = 	snop  }
0x7: {  	_ = 	snop  }
__scs_overlays_trampoline_lowered:
0x8: {  	[smem:$0x3FA0] =	sst s0  }
0x9: {  	[smem:$0x3FA1] =	sst s1  }
0xa: {  	[smem:$0x3FA2] =	sst s2  }
0xb: {  	[smem:$0x3FA3] =	sst s3  }
0xc: {  	[smem:$0x3FA4] =	sst s4  }
0xd: {  	[smem:$0x3FA5] =	sst s5  }
0xe: {  	[smem:$0x3FA6] =	sst s6  }
0xf: {  	[smem:$0x3FA7] =	sst s7  }
0x10: {  	[smem:$0x3FA8] =	sst s8  }
0x11: {  	[smem:$0x3FA9] =	sst s9;
	s0 =	simm.s32 @!p0 $0x0  }
0x12: {  	s1 =	sld [smem:$0x3F8F];
	s0 =	simm.s32 @p0 $0x1  }
0x13: {  	[smem:$0x3FAA] =	sst s0;
	s0 =	simm.s32 @!p1 $0x0  }
0x14: {  	s2 =	sld [smem:$0x3F8E];
	s0 =	simm.s32 @p1 $0x1  }
0x15: {  	[smem:$0x3FAB] =	sst s0;
	s0 =	simm.s32 @!p2 $0x0  }
0x16: {  	s3 =	sld [smem:$0x3FDB];
	s0 =	simm.s32 @p2 $0x1  }
0x17: {  	s4 =	simm.s32 $0x1BF5;
	[smem:$0x3FAD] =	sst s0  }
0x18: {  	s0 =	sld [smem:$0x3F90];
	_ =	swait.ge [sflag:s4], $0x0  }
0x19: {  	s7 =	sld [smem:$0x3F91]  }
0x1a: {  	s8 =	sadd.s32 $0xFFFFE003, lr  }
0x1b: {  	s9 =	sadd.s32 $0xFFFFFEF7, lr;
	s5 =	simm.s32 $0xFFFFFFFF;
	p2 =	slt.u32 s8, $0xFFFFF086  }
0x1c: {  	p1 =	slt.u32 s9, $0xF7A;
	s5 =	simm.s32 @!p2 $0x0  }
0x1d: {  	s5 =	simm.s32 @p1 $0x1;
	p0 =	seq.s32 s7, s2  }
0x1e: {  	s7 =	smul.u32 @!p0 $0xF7A, s2;
	p2 =	seq.s32 @!p0 s5, $0x0  }
0x1f: {  	s9 =	smul.u32 $0xF7A, s1;
	s8 =	simm.s32 @!p0 $0x1BF5;
	p2 =	por !p2, p0  }
0x20: {  	[sflag:s8] =	ssyncset.s32 @!p0 $0xFFFFF086;
	s6 =	sadd.s32 @!p0 s3, s7;
	s7 =	simm.s32 @!p0 $0x108  }
0x21: {  	s3 =	sadd.s32 s3, s9;
	s6 =	sadd.s32 @!p0 $0x88, s6;
	s7 =	simm.s32 @p2 $0x1082  }
0x22: {  	[simem:s7], [sflag:s8] =	dma.local @!p0 [hbm:s6], $0xF7A  }
0x23: {  	s9 =	sor.u32 $0xD0000000, s2;
	s6 =	simm.s32 $0x108;
	_ =	swait.ge @!p0 [sflag:s8], $0x0  }
0x24: {  	s3 =	sadd.s32 $0x88, s3;
	s6 =	simm.s32 @!p1 $0x1082;
	[sflag:s4] =	ssyncset.s32 $0xFFFFF086  }
0x25: {  	[simem:s6], [sflag:s4] =	dma.local [hbm:s3], $0xF7A  }
0x26: {  	[smem:$0x3F91] =	sst s1;
	(tag) =	ssettag s2;
	_ =	strace s9  }
0x27: {  	s1 =	sld [smem:$0x3FA1]  }
0x28: {  	s2 =	sld [smem:$0x3FA2]  }
0x29: {  	s4 =	sld [smem:$0x3FA4]  }
0x2a: {  	p0 =	seq.s32 s5, $0x0;
	s5 =	sld [smem:$0x3FA5]  }
0x2b: {  	s6 =	sld [smem:$0x3FA6]  }
0x2c: {  	s7 =	sld [smem:$0x3FA7]  }
0x2d: {  	s3 =	simm.s32 $0x108;
	s8 =	sld [smem:$0x3FA8]  }
0x2e: {  	s3 =	simm.s32 @!p0 $0x1082;
	s9 =	sld [smem:$0x3FA9]  }
0x2f: {  	lr =	sadd.s32 s0, s3;
	s0 =	sld [smem:$0x3FA0]  }
0x30: {  	s3 =	sld [smem:$0x3FA3]  }
0x31: {  	[smem:$0x3FAC] =	sst s10  }
0x32: {  	s10 =	sld [smem:$0x3FAA];
	_ =	sdelay $0x3  }
0x33: {  	p0 =	seq.s32 s10, $0x1;
	s10 =	sld [smem:$0x3FAC];
	_ =	sdelay $0x3  }
0x34: {  	[smem:$0x3FAC] =	sst s10  }
0x35: {  	s10 =	sld [smem:$0x3FAB];
	_ =	sdelay $0x3  }
0x36: {  	p1 =	seq.s32 s10, $0x1;
	s10 =	sld [smem:$0x3FAC];
	_ =	sdelay $0x3  }
0x37: {  	[smem:$0x3FAC] =	sst s10  }
0x38: {  	s10 =	sld [smem:$0x3FAD]  }
0x39: {  	_ = 	snop;
	(pc) =	sbr.ind lr, $3  }
0x3a: {  	_ = 	snop  }
0x3b: {  	_ = 	snop  }
0x3c: {  	p2 =	seq.s32 s10, $0x1;
	s10 =	sld [smem:$0x3FAC]  }
0x3d: {  	_ =	shalt  }
0x3e: {  	_ =	shalt  }
0x3f: {  	_ =	shalt  }
0x40: {  	_ =	shalt  }
0x41: {  	_ =	shalt  }
0x42: {  	_ =	shalt  }
0x43: {  	_ =	shalt  }
0x44: {  	_ =	shalt  }
0x45: {  	_ =	shalt  }
0x46: {  	_ =	shalt  }
0x47: {  	_ =	shalt  }
0x48: {  	_ =	shalt  }
0x49: {  	_ =	shalt  }
0x4a: {  	_ =	shalt  }
0x4b: {  	_ =	shalt  }
0x4c: {  	_ =	shalt  }
0x4d: {  	_ =	shalt  }
0x4e: {  	_ =	shalt  }
0x4f: {  	_ =	shalt  }
0x50: {  	_ =	shalt  }
0x51: {  	_ =	shalt  }
0x52: {  	_ =	shalt  }
0x53: {  	_ =	shalt  }
0x54: {  	_ =	shalt  }
0x55: {  	_ =	shalt  }
0x56: {  	_ =	shalt  }
0x57: {  	_ =	shalt  }
0x58: {  	_ =	shalt  }
0x59: {  	_ =	shalt  }
0x5a: {  	_ =	shalt  }
0x5b: {  	_ =	shalt  }
0x5c: {  	_ =	shalt  }
0x5d: {  	_ =	shalt  }
0x5e: {  	_ =	shalt  }
0x5f: {  	_ =	shalt  }
0x60: {  	_ =	shalt  }
0x61: {  	_ =	shalt  }
0x62: {  	_ =	shalt  }
0x63: {  	_ =	shalt  }
0x64: {  	_ =	shalt  }
0x65: {  	_ =	shalt  }
0x66: {  	_ =	shalt  }
0x67: {  	_ =	shalt  }
0x68: {  	_ =	shalt  }
0x69: {  	_ =	shalt  }
0x6a: {  	_ =	shalt  }
0x6b: {  	_ =	shalt  }
0x6c: {  	_ =	shalt  }
0x6d: {  	_ =	shalt  }
0x6e: {  	_ =	shalt  }
0x6f: {  	_ =	shalt  }
0x70: {  	_ =	shalt  }
0x71: {  	_ =	shalt  }
0x72: {  	_ =	shalt  }
0x73: {  	_ =	shalt  }
0x74: {  	_ =	shalt  }
0x75: {  	_ =	shalt  }
0x76: {  	_ =	shalt  }
0x77: {  	_ =	shalt  }
0x78: {  	_ =	shalt  }
0x79: {  	_ =	shalt  }
0x7a: {  	_ =	shalt  }
0x7b: {  	_ =	shalt  }
0x7c: {  	_ =	shalt  }
0x7d: {  	_ =	shalt  }
0x7e: {  	_ =	shalt  }
0x7f: {  	_ =	shalt  }
0x80: {  	_ =	shalt  }
0x81: {  	_ =	shalt  }
0x82: {  	_ =	shalt  }
0x83: {  	_ =	shalt  }
0x84: {  	_ =	shalt  }
0x85: {  	_ =	shalt  }
0x86: {  	_ =	shalt  }
0x87: {  	_ =	shalt  }
.Lfunc_end0:
.L_simem_size_0:
called_computation.1_lowered:
.L_overlay_start_0:
0x88: {  	s2 =	sld [smem:$0x3FD9]  }
0x89: {  	s3 =	sld [smem:$0x3FFE];
	_ =	sdelay $0x1  }
0x8a: {  	s1 =	srdreg.scid  }
0x8b: {  	s0 =	sand.u32 $0x1, s1  }
0x8c: {  	s17 =	sshll.u32 s0, $0xA;
	s2 =	sadd.s32 s3, s2  }
0x8d: {  	s2 =	sadd.s32 s2, s17  }
0x8e: {  	[smem:$0x3FB8] =	sst s2  }
0x8f: {  	_ = 	snop  }
0x90: {  	s2 =	sld [smem:$0x3FD0];
	(tm) =	ssettm $0x1  }
0x91: {  	s18 =	sld [smem:$0x3FFB];
	_ =	sdelay $0x3  }
0x92: {  	_ =	strace s18  }
0x93: {  	s3 =	sld [smem:$0x3FFC];
	_ =	sdelay $0x3  }
0x94: {  	_ =	strace s3  }
0x95: {  	s3 =	sld [smem:$0x3FFD];
	_ =	sdelay $0x3  }
0x96: {  	_ =	strace s3  }
0x97: {  	_ =	strace $0x8FFFFFFF  }
0x98: {  	s19 =	sld [smem:$0x3FDB];
	_ =	sdelay $0x1  }
0x99: {  	s4 =	simm.s32 $_scs_section_size  }
0x9a: {  	s5 =	simm.s32 $_size__tile_overlayer_lowered;
	s6 =	simm.s32 $_tile_overlayer_lowered  }
0x9b: {  	s22 =	simm.s32 $0x1BFF;
	s21 =	sshll.u32 s6, $0x1;
	s3 =	sadd.s32 s4, s19  }
0x9c: {  	s7 =	simm.s32 $0x0;
	s20 =	sshll.u32 s5, $0x1;
	s5 =	sadd.s32 s21, s3  }
0x9d: {  	[timem:s7], [sflag:s22] =	dma.local [hbm:s5], s20  }
0x9e: {  	_ =	swait.ge [sflag:s22], s20  }
0x9f: {  	s4 =	ssub.s32 $0x0, s20;
	[sflag:s22] =	ssyncset.done $0x0  }
0xa0: {  	[sflag:s22] =	ssyncadd.s32 s4;
	_ =	sdelay $0x1  }
0xa1: {  	s23 =	simm.s32 $0x1B8B  }
0xa2: {  	_ =	swait.ge [sflag:s23], $0x1  }
0xa3: {  	[sflag:s23] =	ssyncset.done $0x0  }
0xa4: {  	s25 =	simm.s32 $0x1B8E;
	s24 =	sld [smem:$0x3FFE];
	[sflag:s23] =	ssyncadd.s32 $0xFFFFFFFF  }
0xa5: {  	s26 =	simm.s32 $execute0_lowered;
	[smem:$0x3FD2] =	sst s25  }
0xa6: {  	s5 =	sshll.u32 s26, $0x1;
	_ =	strace $0x80000049;
	[dreg:$0x1] =	wrdreg $0xFFFFFFFF  }
0xa7: {  	s28 =	simm.s32 $_size_execute0_lowered;
	s3 =	sadd.s32 s3, s5;
	[dreg:$0x0] =	wrdreg $0x0  }
0xa8: {  	s5 =	sshll.u32 s28, $0x1;
	[dreg:$0x2] =	wrdreg s3  }
0xa9: {  	[dreg:$0x3] =	wrdreg s5  }
0xaa: {  	[dreg:$0x4] =	wrdreg $0xC0  }
0xab: {  	_ =	task [dreg:s7], $0x5FFFF  }
0xac: {  	[dreg:$0x1] =	wrdreg $0xFFFFFFFF  }
0xad: {  	[dreg:$0x0] =	wrdreg $0x60  }
0xae: {  	[dreg:$0x2] =	wrdreg s2  }
0xaf: {  	[dreg:$0x3] =	wrdreg s24  }
0xb0: {  	[dreg:$0x4] =	wrdreg $0x0  }
0xb1: {  	[dreg:$0x5] =	wrdreg $0x9  }
0xb2: {  	_ =	task.clear_ibuf [dreg:s7], $0x6FFFF;
	_ =	strace $0x90000049  }
0xb3: {  	s29 =	simm.s32 $0x9;
	_ =	strace $0x8000004B  }
0xb4: {  	_ =	swait.ge [sflag:s29], $0x1  }
0xb5: {  	[sflag:s29] =	ssyncadd.s32 $0xFFFFFFFF  }
0xb6: {  	_ =	strace $0x9000004B  }
0xb7: {  	_ =	sfence  }
0xb8: {  	s30 =	sld [smem:$0x0];
	_ =	sdelay $0x2  }
0xb9: {  	s31 =	sshll.u32 s1, $0xD;
	s1 =	sshrl.u32 s1, $0x2  }
0xba: {  	s3 =	sand.u32 $0x4000, s31;
	s1 =	sadd.s32 s1, s30  }
0xbb: {  	s0 =	sor.u32 s3, s0;
	s1 =	sshll.u32 s1, $0x11  }
0xbc: {  	s0 =	sor.u32 s1, s0  }
0xbd: {  	s0 =	sadd.s32 $0x8F2B, s0  }
0xbe: {  	[sflag:s0] =	ssyncadd.remote.s32 $0x1  }
0xbf: {  	_ =	sfence.sel $0xFFFF  }
0xc0: {  	[dreg:$0x0] =	wrdreg $0xFFFFFFFF;
	(pc) =	sbr.abs _section_cstart, $3  }
0xc1: {  	[dreg:$0x1] =	wrdreg $0xFFFFFFFF  }
0xc2: {  	_ =	task.clear_ibuf [dreg:s7], $0x2FFFF;
	_ =	strace $0x9FFFFFFF  }
0xc3: {  	(tm) =	ssettm $0x7FFFFFFF  }
tec
execute0_lowered:
.L_overlay_start_1:
0x0: {  	(tag) =	ssettag $0x1  }
0x1: {  	s0 =	srdreg.scid  }
0x2: {  	s16 =	stileid.u32;
	s5 =	rddreg [dreg:$0x1]  }
0x3: {  	s1 =	simm.s32 $0x0;
	s0 =	sand.u32 $0x1, s0;
	s2 =	sshll.u32 s16, $0x1  }
0x4: {  	[smem:$0x7FF] =	sst s1;
	s13 =	sor.u32 $0x30, s16;
	s7 =	smul.u32 $0x138800, s0  }
0x5: {  	s2 =	sor.u32 s0, s2;
	s3 =	ssub.s32 $0x2, s0;
	s0 =	smul.u32 $0x2800, s16  }
0x6: {  	s6 =	sadd.s32 $0xC8600, s5;
	s17 =	sor.u32 $0x40, s16;
	s20 =	smul.u32 $0x2800, s13  }
0x7: {  	s10 =	sor.u32 $0x10, s16;
	s12 =	sor.u32 $0x20, s16;
	s22 =	smul.u32 $0x2800, s17  }
0x8: {  	s18 =	sor.u32 $0x50, s16;
	s19 =	sor.u32 $0x60, s16;
	s13 =	smul.u32 $0xA000, s13  }
0x9: {  	s21 =	sor.u32 $0x70, s16;
	s2 =	smul.u32 $0x2710, s2;
	s4 =	sshrl.u32 s3, $0x1  }
0xa: {  	p0 =	sgt.u32 s21, $0x7C;
	s8 =	ssub.s32 s3, s4;
	s3 =	smul.u32 $0x2800, s10  }
0xb: {  	s9 =	sadd.s32 s7, s0;
	s4 =	smul.u32 $0x2800, s12;
	s23 =	sadd.s32 s7, s20  }
0xc: {  	s25 =	sadd.s32 s7, s22;
	s9 =	sshrl.u32 s9, $0x3;
	s11 =	sadd.s32 s7, s3  }
0xd: {  	s9 =	sadd.s32 s6, s9;
	s15 =	sadd.s32 s7, s4;
	s11 =	sshrl.u32 s11, $0x3  }
0xe: {  	[dreg:$0x4] =	wrdreg s9;
	s9 =	sshrl.u32 s15, $0x3;
	s14 =	sadd.s32 s6, s11  }
0xf: {  	s12 =	smul.u32 $0xA000, s12;
	s9 =	sadd.s32 s6, s9;
	[dreg:$0x5] =	wrdreg s14  }
0x10: {  	s11 =	sshrl.u32 s23, $0x3;
	s23 =	smul.u32 $0x2800, s18;
	[dreg:$0x6] =	wrdreg s9  }
0x11: {  	s24 =	sadd.s32 s6, s11;
	s9 =	sshrl.u32 s25, $0x3;
	s11 =	rddreg [dreg:$0x2]  }
0x12: {  	s25 =	smul.u32 $0x2800, s21;
	[dreg:$0x7] =	wrdreg s24;
	s26 =	sadd.s32 s7, s23  }
0x13: {  	s24 =	smul.u32 $0x2800, s19;
	s9 =	sadd.s32 s6, s9;
	s0 =	sadd.s32 s0, s11  }
0x14: {  	s3 =	sadd.s32 s3, s11;
	s4 =	sadd.s32 s4, s11;
	s22 =	sadd.s32 s22, s11  }
0x15: {  	s23 =	sadd.s32 s23, s11;
	[dreg:$0x8] =	wrdreg s9;
	s14 =	sshrl.u32 s26, $0x3  }
0x16: {  	s26 =	smul.u32 $0xA000, s16;
	s16 =	sadd.s32 $0x3FA00, s5;
	s0 =	sshrl.u32 s0, $0x3  }
0x17: {  	s28 =	sshrl.u32 s3, $0x3;
	s29 =	sshrl.u32 s4, $0x3;
	s31 =	sshrl.u32 s22, $0x3  }
0x18: {  	s4 =	simm.s32 $0x19320;
	s9 =	sadd.s32 s6, s14;
	s15 =	sadd.s32 s7, s24  }
0x19: {  	s7 =	sadd.s32 s7, s25;
	[dreg:$0x9] =	wrdreg s9;
	s14 =	sshrl.u32 s15, $0x3  }
0x1a: {  	s9 =	rddreg [dreg:$0x0];
	s7 =	sshrl.u32 s7, $0x3;
	s14 =	sadd.s32 s6, s14  }
0x1b: {  	s6 =	sadd.s32 s6, s7;
	s7 =	sshrl.u32 s26, $0x2;
	s26 =	smul.u32 $0xA000, s17  }
0x1c: {  	s15 =	sadd.s32 $0x49800, s5;
	s17 =	smul.u32 $0xA000, s21;
	[dreg:$0xa] =	wrdreg s14  }
0x1d: {  	s21 =	sadd.s32 s20, s11;
	[dreg:$0xb] =	wrdreg s6;
	s6 =	smul.u32 $0xA000, s10  }
0x1e: {  	s14 =	sadd.s32 $0x2CE000, s5;
	s10 =	smax.u32 s8, $0x1;
	s7 =	sadd.s32 s7, s11  }
0x1f: {  	s5 =	sshrl.u32 s12, $0x2;
	s8 =	sshrl.u32 s13, $0x2;
	s13 =	smul.u32 $0xA000, s19  }
0x20: {  	s30 =	sshrl.u32 s21, $0x3;
	_ =	strace $0x8000004A;
	[dreg:$0xc] =	wrdreg s10  }
0x21: {  	[dreg:$0xd] =	wrdreg s7;
	s10 =	smul.u32 $0xA000, s18;
	s5 =	sadd.s32 s5, s11  }
0x22: {  	s12 =	sadd.s32 s8, s11;
	s19 =	sshrl.u32 s17, $0x2;
	[dreg:$0x15] =	wrdreg s0  }
0x23: {  	s7 =	simm.s32 $0x138D0;
	s8 =	simm.s32 $0x50;
	[dreg:$0xf] =	wrdreg s5  }
0x24: {  	s17 =	simm.s32 $0x1;
	s6 =	sshrl.u32 s6, $0x2;
	[dreg:$0x10] =	wrdreg s12  }
0x25: {  	s5 =	sshrl.u32 s13, $0x2;
	s12 =	sadd.s32 s25, s11;
	s13 =	simm.s32 $0x16120  }
0x26: {  	s6 =	sadd.s32 s6, s11;
	s18 =	sshrl.u32 s10, $0x2;
	s5 =	sadd.s32 s5, s11  }
0x27: {  	s10 =	sshrl.u32 s23, $0x3;
	s3 =	sshrl.u32 @!p0 s12, $0x3;
	[dreg:$0xe] =	wrdreg s6  }
0x28: {  	s12 =	simm.s32 $0x13920;
	s6 =	sshrl.u32 s26, $0x2;
	[dreg:$0x13] =	wrdreg s5  }
0x29: {  	s5 =	sadd.s32 s19, s11;
	s26 =	sadd.s32 s24, s11;
	s19 =	simm.s32 $0x0  }
0x2a: {  	s6 =	sadd.s32 s6, s11;
	[dreg:$0x14] =	wrdreg s5;
	s0 =	sshrl.u32 s26, $0x3  }
0x2b: {  	s5 =	simm.s32 $0x2;
	[dreg:$0x11] =	wrdreg s6;
	s6 =	sadd.s32 s18, s11  }
0x2c: {  	v0 =	vimm.f32 $0.0e+00;
	s18 =	simm.s32 $0x16B20;
	[dreg:$0x12] =	wrdreg s6;
	s6 =	simm.s32 $0x13880  }
.LBB2_1:
0x2d: {  	s20 =	simm.s32 $0x0;
	s21 =	simm.s32 $0x200  }
.LBB2_2:
0x2e: {  	p1 =	sne.s32 s21, $0x9E00;
	[tilespmem:s20+$0x19390] =	vst v0  }
0x2f: {  	[tilespmem:s20+$0x19320] =	vst v0  }
0x30: {  	[tilespmem:s20+$0x19330] =	vst v0  }
.Ltmp0:
0x31: {  	[tilespmem:s20+$0x19340] =	vst v0;
	(pc) =	sbr.rel @p1 .LBB2_2-.Ltmp0, $4  }
0x32: {  	[tilespmem:s20+$0x19350] =	vst v0  }
0x33: {  	[tilespmem:s20+$0x19360] =	vst v0  }
0x34: {  	[tilespmem:s20+$0x19370] =	vst v0  }
0x35: {  	[tilespmem:s20+$0x19380] =	vst v0;
	s20 =	sshra.s32 s21, $0x2;
	s21 =	sadd.s32 $0x200, s21  }
0x36: {  	[tilespmem:s20+$0x19390] =	vst v0  }
0x37: {  	[tilespmem:s20+$0x19320] =	vst v0  }
0x38: {  	[tilespmem:s20+$0x19330] =	vst v0  }
0x39: {  	[tilespmem:s20+$0x19340] =	vst v0  }
0x3a: {  	[tilespmem:s20+$0x19350] =	vst v0  }
0x3b: {  	[tilespmem:s20+$0x19360] =	vst v0  }
0x3c: {  	[tilespmem:s20+$0x19370] =	vst v0  }
0x3d: {  	[tilespmem:s20+$0x19380] =	vst v0;
	s26 =	rddreg [dreg:$0xd]  }
0x3e: {  	[spmem:s26] =	stream.linear.scatter [tilespmem:s4], [sflag:$0x2], $0x2800, $0x38;
	[tilespmem:$0x1BB20] =	vst v63  }
0x3f: {  	_ =	swait.ge [sflag:s5], $0x2800  }
0x40: {  	[sflag:s5] =	ssyncset.done $0x0  }
0x41: {  	s21 =	rddreg [dreg:$0xe];
	[sflag:s5] =	ssyncadd.s32 $0xFFFFD800  }
0x42: {  	[spmem:s21] =	stream.linear.scatter [tilespmem:s4], [sflag:$0x2], $0x2800, $0x38;
	[tilespmem:$0x1BB20] =	vst v63  }
0x43: {  	_ =	swait.ge [sflag:s5], $0x2800  }
0x44: {  	[sflag:s5] =	ssyncset.done $0x0  }
0x45: {  	s22 =	rddreg [dreg:$0xf];
	[sflag:s5] =	ssyncadd.s32 $0xFFFFD800  }
0x46: {  	[spmem:s22] =	stream.linear.scatter [tilespmem:s4], [sflag:$0x2], $0x2800, $0x38;
	[tilespmem:$0x1BB20] =	vst v63  }
0x47: {  	_ =	swait.ge [sflag:s5], $0x2800  }
0x48: {  	[sflag:s5] =	ssyncset.done $0x0  }
0x49: {  	s23 =	rddreg [dreg:$0x10];
	[sflag:s5] =	ssyncadd.s32 $0xFFFFD800  }
0x4a: {  	[spmem:s23] =	stream.linear.scatter [tilespmem:s4], [sflag:$0x2], $0x2800, $0x38;
	[tilespmem:$0x1BB20] =	vst v63  }
0x4b: {  	_ =	swait.ge [sflag:s5], $0x2800  }
0x4c: {  	[sflag:s5] =	ssyncset.done $0x0  }
0x4d: {  	s24 =	rddreg [dreg:$0x11];
	[sflag:s5] =	ssyncadd.s32 $0xFFFFD800  }
0x4e: {  	[spmem:s24] =	stream.linear.scatter [tilespmem:s4], [sflag:$0x2], $0x2800, $0x38;
	[tilespmem:$0x1BB20] =	vst v63  }
0x4f: {  	_ =	swait.ge [sflag:s5], $0x2800  }
0x50: {  	[sflag:s5] =	ssyncset.done $0x0  }
0x51: {  	s25 =	rddreg [dreg:$0x12];
	[sflag:s5] =	ssyncadd.s32 $0xFFFFD800  }
0x52: {  	[spmem:s25] =	stream.linear.scatter [tilespmem:s4], [sflag:$0x2], $0x2800, $0x38;
	[tilespmem:$0x1BB20] =	vst v63  }
0x53: {  	_ =	swait.ge [sflag:s5], $0x2800  }
0x54: {  	[sflag:s5] =	ssyncset.done $0x0  }
0x55: {  	s26 =	rddreg [dreg:$0x13];
	[sflag:s5] =	ssyncadd.s32 $0xFFFFD800  }
0x56: {  	[spmem:s26] =	stream.linear.scatter [tilespmem:s4], [sflag:$0x2], $0x2800, $0x38;
	[tilespmem:$0x1BB20] =	vst v63  }
0x57: {  	_ =	swait.ge [sflag:s5], $0x2800  }
0x58: {  	[sflag:s5] =	ssyncset.done $0x0  }
0x59: {  	s20 =	simm.s32 @!p0 $0x19320;
	s21 =	rddreg [dreg:$0x14];
	[sflag:s5] =	ssyncadd.s32 $0xFFFFD800  }
0x5a: {  	[spmem:s21] =	stream.linear.scatter @!p0 [tilespmem:s20], [sflag:$0x2], $0x2800, $0x38;
	[tilespmem:$0x1BB20] =	vst v63  }
0x5b: {  	s20 =	simm.s32 @!p0 $0x2  }
0x5c: {  	_ =	swait.ge @!p0 [sflag:s20], $0x2800  }
0x5d: {  	[sflag:s20] =	ssyncset.done @!p0 $0x0  }
0x5e: {  	[sflag:s20] =	ssyncadd.s32 @!p0 $0xFFFFD800  }
0x5f: {  	s20 =	simm.s32 $0x0;
	[bflag:$0x0] =	sbarrier.arrive $0xFFFF  }
.LBB2_4:
0x60: {  	s21 =	smul.u32 $0x50, s20;
	_ =	sdelay $0x1  }
0x61: {  	s21 =	sadd.s32 s2, s21  }
0x62: {  	s22 =	sshrl.u32 s21, $0x3  }
0x63: {  	s23 =	sadd.s32 s15, s22  }
0x64: {  	[tilespmem:s6], [sflag:$0x2] =	stream.linear.gather [hbm4b:s23+s1], $0x50, $0x38;
	[tilespmem:$0x1BB20] =	vst v63  }
0x65: {  	_ =	swait.ge [sflag:s5], $0x50  }
0x66: {  	[sflag:s5] =	ssyncset.done $0x0  }
0x67: {  	s22 =	sadd.s32 s16, s22;
	[sflag:s5] =	ssyncadd.s32 $0xFFFFFFB0  }
0x68: {  	[tilespmem:s7], [sflag:$0x2] =	stream.linear.gather [hbm4b:s22+s1], $0x50, $0x38;
	[tilespmem:$0x1BB20] =	vst v63  }
0x69: {  	_ =	swait.ge [sflag:s5], $0x50  }
0x6a: {  	[sflag:s5] =	ssyncset.done $0x0  }
0x6b: {  	s21 =	sshll.u32 s21, $0x2;
	[sflag:s5] =	ssyncadd.s32 $0xFFFFFFB0  }
0x6c: {  	[tilespmem:s12], [sflag:$0x1] =	stream.indirect.gather [hbm4b:s9+s8], $0x80, s6, s8, $0xb8;
	[tilespmem:$0x1BB20] =	vst v63  }
0x6d: {  	s21 =	sadd.s32 s14, s21  }
0x6e: {  	[tilespmem:s13], [sflag:$0x1] =	stream.linear.gather [hbm4b:s21+s1], $0xA00, $0x38;
	[tilespmem:$0x1BB20] =	vst v63  }
0x6f: {  	_ =	swait.ge [sflag:s17], $0x2800  }
0x70: {  	[sflag:s17] =	ssyncset.done $0x0  }
0x71: {  	[sflag:s17] =	ssyncadd.s32 $0xFFFFD800  }
0x72: {  	_ =	swait.ge [sflag:s17], $0xA00  }
0x73: {  	[sflag:s17] =	ssyncset.done $0x0  }
0x74: {  	s21 =	simm.s32 $0x13B20;
	[sflag:s17] =	ssyncadd.s32 $0xFFFFF600  }
0x75: {  	s22 =	simm.s32 $0x161A0;
	v6 =	vld [tilespmem:s21+$0xFFFFFE80]  }
0x76: {  	v1 =	vld [tilespmem:s22+$0xFFFFFFB0]  }
0x77: {  	v9 =	vld [tilespmem:s21+$0x80]  }
0x78: {  	v3 =	vld [tilespmem:s22+$0xFFFFFF90]  }
0x79: {  	v7 =	vld [tilespmem:s21+$0xFFFFFE00]  }
0x7a: {  	v10 =	vld [tilespmem:s22+$0xFFFFFFE0]  }
0x7b: {  	v8 =	vld [tilespmem:s22+$0xFFFFFFD0]  }
0x7c: {  	v2 =	vld [tilespmem:s22+$0xFFFFFFF0]  }
0x7d: {  	v11 =	vld [tilespmem:s22+$0xFFFFFFA0]  }
0x7e: {  	v12 =	vld [tilespmem:s22+$0xFFFFFFC0]  }
0x7f: {  	v13 =	vld [tilespmem:s21+$0xFFFFFF00]  }
0x80: {  	v14 =	vld [tilespmem:s21+$0xFFFFFF80]  }
0x81: {  	v15 =	vld [tilespmem:s22+$0xFFFFFF80]  }
0x82: {  	v5 =	vld [tilespmem:s22+$0x50]  }
0x83: {  	v16 =	vld [tilespmem:s22+$0x40]  }
0x84: {  	v17 =	vld [tilespmem:s21+$0x100]  }
0x85: {  	v4 =	vld [tilespmem:s22+$0x30]  }
0x86: {  	v18 =	vld [tilespmem:s22+$0x60];
	v13 =	vmul.f32 v13, v12  }
0x87: {  	s23 =	simm.s32 $0x16D20;
	v19 =	vld [tilespmem:s22+$0x0];
	v6 =	vmul.f32 v6, v11  }
0x88: {  	v7 =	vmul.f32 v7, v15;
	[tilespmem:s23+$0xFFFFFF00] =	vst v13;
	v13 =	vld [tilespmem:s21+$0x0]  }
0x89: {  	[tilespmem:s23+$0xFFFFFE80] =	vst v6;
	v20 =	vld [tilespmem:s21+$0xFFFFFF10]  }
0x8a: {  	[tilespmem:s23+$0xFFFFFE00] =	vst v7;
	v7 =	vld [tilespmem:s21+$0xFFFFFE90]  }
0x8b: {  	v21 =	vld [tilespmem:s21+$0xFFFFFE10]  }
0x8c: {  	v45 =	vld [tilespmem:s21+$0x180];
	v6 =	vmul.f32 v17, v16  }
0x8d: {  	v23 =	vld [tilespmem:s22+$0x20]  }
0x8e: {  	[tilespmem:s23+$0x100] =	vst v6;
	v6 =	vld [tilespmem:s22+$0x10];
	v13 =	vmul.f32 v13, v19  }
0x8f: {  	v22 =	vld [tilespmem:s21+$0x110];
	v20 =	vmul.f32 v20, v12  }
0x90: {  	v21 =	vmul.f32 v21, v15;
	[tilespmem:s23+$0x0] =	vst v13;
	v13 =	vmul.f32 v7, v11;
	v7 =	vld [tilespmem:s22+$0x70]  }
0x91: {  	[tilespmem:s23+$0xFFFFFF10] =	vst v20;
	v46 =	vld [tilespmem:s21+$0x10]  }
0x92: {  	v17 =	vmul.f32 v45, v18;
	[tilespmem:s23+$0xFFFFFE10] =	vst v21;
	v24 =	vld [tilespmem:s21+$0xFFFFFF20]  }
0x93: {  	v14 =	vmul.f32 v14, v10;
	[tilespmem:s23+$0xFFFFFE90] =	vst v13;
	v21 =	vld [tilespmem:s21+$0xFFFFFE20]  }
0x94: {  	[tilespmem:s23+$0x180] =	vst v17;
	v13 =	vmul.f32 v22, v16;
	v47 =	vld [tilespmem:s21+$0xFFFFFEA0]  }
0x95: {  	v9 =	vmul.f32 v9, v23;
	[tilespmem:s23+$0xFFFFFF80] =	vst v14;
	v48 =	vld [tilespmem:s21+$0x190]  }
0x96: {  	v51 =	vld [tilespmem:s21+$0xFFFFFF90];
	[tilespmem:s23+$0x110] =	vst v13;
	v20 =	vmul.f32 v46, v19  }
0x97: {  	[tilespmem:s23+$0x80] =	vst v9;
	v13 =	vld [tilespmem:s21+$0x120];
	v9 =	vmul.f32 v24, v12  }
0x98: {  	v49 =	vld [tilespmem:s21+$0x90];
	v21 =	vmul.f32 v21, v15;
	[tilespmem:s23+$0x10] =	vst v20  }
0x99: {  	v17 =	vmul.f32 v47, v11;
	[tilespmem:s23+$0xFFFFFF20] =	vst v9;
	v9 =	vld [tilespmem:s21+$0x20]  }
0x9a: {  	v14 =	vmul.f32 v48, v18;
	[tilespmem:s23+$0xFFFFFE20] =	vst v21;
	v50 =	vld [tilespmem:s21+$0xFFFFFF30]  }
0x9b: {  	v53 =	vmul.f32 v51, v10;
	[tilespmem:s23+$0xFFFFFEA0] =	vst v17;
	v21 =	vld [tilespmem:s21+$0xFFFFFE30]  }
0x9c: {  	[tilespmem:s23+$0x190] =	vst v14;
	v13 =	vmul.f32 v13, v16;
	v14 =	vld [tilespmem:s21+$0xFFFFFEB0]  }
0x9d: {  	[tilespmem:s23+$0xFFFFFF90] =	vst v53;
	v24 =	vmul.f32 v49, v23;
	v52 =	vld [tilespmem:s21+$0x1A0]  }
0x9e: {  	[tilespmem:s23+$0x120] =	vst v13;
	v9 =	vmul.f32 v9, v19  }
0x9f: {  	[tilespmem:s23+$0x90] =	vst v24;
	v13 =	vld [tilespmem:s21+$0x130];
	v12 =	vmul.f32 v50, v12  }
0xa0: {  	v54 =	vld [tilespmem:s21+$0xA0];
	v15 =	vmul.f32 v21, v15;
	[tilespmem:s23+$0x20] =	vst v9  }
0xa1: {  	v9 =	vmul.f32 v14, v11;
	[tilespmem:s23+$0xFFFFFF30] =	vst v12;
	v11 =	vld [tilespmem:s21+$0x30]  }
0xa2: {  	v12 =	vmul.f32 v52, v18;
	[tilespmem:s23+$0xFFFFFE30] =	vst v15;
	v14 =	vld [tilespmem:s21+$0xFFFFFF40]  }
0xa3: {  	v55 =	vld [tilespmem:s21+$0xFFFFFFA0];
	[tilespmem:s23+$0xFFFFFEB0] =	vst v9  }
0xa4: {  	v56 =	vld [tilespmem:s21+$0xFFFFFE40];
	[tilespmem:s23+$0x1A0] =	vst v12;
	v12 =	vmul.f32 v13, v16  }
0xa5: {  	v9 =	vld [tilespmem:s21+$0xFFFFFEC0];
	v13 =	vmul.f32 v54, v23  }
0xa6: {  	v15 =	vld [tilespmem:s21+$0x1B0];
	[tilespmem:s23+$0x130] =	vst v12;
	v11 =	vmul.f32 v11, v19  }
0xa7: {  	[tilespmem:s23+$0xA0] =	vst v13;
	v12 =	vmul.f32 v14, v8  }
0xa8: {  	v13 =	vld [tilespmem:s21+$0x140];
	v14 =	vmul.f32 v55, v10;
	[tilespmem:s23+$0x30] =	vst v11  }
0xa9: {  	v57 =	vld [tilespmem:s21+$0xB0];
	v16 =	vmul.f32 v56, v3;
	[tilespmem:s23+$0xFFFFFF40] =	vst v12  }
0xaa: {  	v9 =	vmul.f32 v9, v1;
	v11 =	vld [tilespmem:s21+$0x40];
	[tilespmem:s23+$0xFFFFFFA0] =	vst v14  }
0xab: {  	v12 =	vmul.f32 v15, v18;
	[tilespmem:s23+$0xFFFFFE40] =	vst v16;
	v14 =	vld [tilespmem:s21+$0xFFFFFF50]  }
0xac: {  	v15 =	vld [tilespmem:s21+$0xFFFFFFB0];
	[tilespmem:s23+$0xFFFFFEC0] =	vst v9  }
0xad: {  	v59 =	vld [tilespmem:s21+$0xFFFFFE50];
	[tilespmem:s23+$0x1B0] =	vst v12;
	v12 =	vmul.f32 v13, v5  }
0xae: {  	v9 =	vld [tilespmem:s21+$0xFFFFFED0];
	v13 =	vmul.f32 v57, v23  }
0xaf: {  	v58 =	vld [tilespmem:s21+$0x1C0];
	[tilespmem:s23+$0x140] =	vst v12;
	v11 =	vmul.f32 v11, v6  }
0xb0: {  	[tilespmem:s23+$0xB0] =	vst v13;
	v13 =	vld [tilespmem:s21+$0x150];
	v12 =	vmul.f32 v14, v8  }
0xb1: {  	v10 =	vmul.f32 v15, v10;
	v14 =	vld [tilespmem:s21+$0xC0];
	[tilespmem:s23+$0x40] =	vst v11  }
0xb2: {  	v60 =	vmul.f32 v59, v3;
	[tilespmem:s23+$0xFFFFFF50] =	vst v12;
	v11 =	vld [tilespmem:s21+$0x50]  }
0xb3: {  	v9 =	vmul.f32 v9, v1;
	[tilespmem:s23+$0xFFFFFFB0] =	vst v10;
	v12 =	vld [tilespmem:s21+$0xFFFFFF60]  }
0xb4: {  	v10 =	vmul.f32 v58, v7;
	[tilespmem:s23+$0xFFFFFE50] =	vst v60;
	v15 =	vld [tilespmem:s21+$0xFFFFFFC0]  }
0xb5: {  	[tilespmem:s23+$0xFFFFFED0] =	vst v9;
	v16 =	vld [tilespmem:s21+$0xFFFFFE60];
	v13 =	vmul.f32 v13, v5  }
0xb6: {  	v9 =	vld [tilespmem:s21+$0xFFFFFEE0];
	[tilespmem:s23+$0x1C0] =	vst v10;
	v10 =	vmul.f32 v14, v4  }
0xb7: {  	v14 =	vld [tilespmem:s21+$0x1D0];
	[tilespmem:s23+$0x150] =	vst v13;
	v11 =	vmul.f32 v11, v6  }
0xb8: {  	[tilespmem:s23+$0xC0] =	vst v10;
	v12 =	vmul.f32 v12, v8  }
0xb9: {  	v13 =	vld [tilespmem:s21+$0x160];
	v10 =	vmul.f32 v15, v2;
	[tilespmem:s23+$0x50] =	vst v11  }
0xba: {  	v16 =	vmul.f32 v16, v3;
	v11 =	vld [tilespmem:s21+$0xD0];
	[tilespmem:s23+$0xFFFFFF60] =	vst v12  }
0xbb: {  	v9 =	vmul.f32 v9, v1;
	v12 =	vld [tilespmem:s21+$0x60];
	[tilespmem:s23+$0xFFFFFFC0] =	vst v10  }
0xbc: {  	v14 =	vmul.f32 v14, v7;
	[tilespmem:s23+$0xFFFFFE60] =	vst v16;
	v15 =	vld [tilespmem:s21+$0xFFFFFF70]  }
0xbd: {  	[tilespmem:s23+$0xFFFFFEE0] =	vst v9;
	v61 =	vld [tilespmem:s21+$0xFFFFFFD0]  }
0xbe: {  	v9 =	vld [tilespmem:s21+$0xFFFFFE70];
	v62 =	vmul.f32 v13, v5;
	[tilespmem:s23+$0x1D0] =	vst v14  }
0xbf: {  	v13 =	vld [tilespmem:s21+$0x1E0];
	v11 =	vmul.f32 v11, v4  }
0xc0: {  	v10 =	vld [tilespmem:s21+$0xFFFFFEF0];
	[tilespmem:s23+$0x160] =	vst v62;
	v63 =	vmul.f32 v12, v6  }
0xc1: {  	v12 =	vld [tilespmem:s21+$0x170];
	[tilespmem:s23+$0xD0] =	vst v11  }
0xc2: {  	s25 =	simm.s32 $0x0;
	s26 =	simm.s32 $0x13F20;
	s24 =	simm.s32 $0x16D20;
	v11 =	vmul.f32 v15, v8;
	v14 =	vmul.f32 v61, v2;
	[tilespmem:s23+$0x60] =	vst v63;
	v8 =	vld [tilespmem:s21+$0xE0]  }
.LBB2_5:
0xc3: {  	v15 =	vld [tilespmem:s26+$0xFFFFFE80];
	s25 =	sadd.s32 $0x8, s25;
	s23 =	sadd.s32 $0x400, s23;
	s22 =	sadd.s32 $0x100, s22  }
0xc4: {  	v16 =	vld [tilespmem:s22+$0xFFFFFFB0];
	p1 =	slt.u32 s25, $0x48;
	[tilespmem:s24+$0xFFFFFFD0] =	vst v14;
	v13 =	vmul.f32 v13, v7  }
0xc5: {  	v14 =	vld [tilespmem:s26+$0x80];
	v9 =	vmul.f32 v9, v3  }
0xc6: {  	v3 =	vld [tilespmem:s22+$0xFFFFFF90];
	v5 =	vmul.f32 v12, v5;
	[tilespmem:s24+$0x1E0] =	vst v13  }
0xc7: {  	[tilespmem:s24+$0xFFFFFE70] =	vst v9;
	v8 =	vmul.f32 v8, v4;
	v12 =	vld [tilespmem:s21+$0x1F0]  }
0xc8: {  	v13 =	vld [tilespmem:s21+$0xFFFFFFE0];
	[tilespmem:s24+$0x170] =	vst v5  }
0xc9: {  	v17 =	vld [tilespmem:s26+$0xFFFFFE00];
	[tilespmem:s24+$0xE0] =	vst v8  }
0xca: {  	v9 =	vld [tilespmem:s22+$0xFFFFFFE0]  }
0xcb: {  	v8 =	vld [tilespmem:s22+$0xFFFFFFD0]  }
0xcc: {  	v5 =	vld [tilespmem:s21+$0xF0];
	v7 =	vmul.f32 v12, v7  }
0xcd: {  	v18 =	vld [tilespmem:s22+$0xFFFFFFF0];
	v13 =	vmul.f32 v13, v2  }
0xce: {  	v12 =	vld [tilespmem:s22+$0xFFFFFFA0];
	[tilespmem:s24+$0x1F0] =	vst v7  }
0xcf: {  	v19 =	vld [tilespmem:s22+$0xFFFFFFC0];
	[tilespmem:s24+$0xFFFFFFE0] =	vst v13  }
0xd0: {  	v7 =	vld [tilespmem:s21+$0x70]  }
0xd1: {  	v13 =	vld [tilespmem:s26+$0xFFFFFF00];
	v4 =	vmul.f32 v5, v4  }
0xd2: {  	v20 =	vld [tilespmem:s21+$0xFFFFFFF0];
	s21 =	smov.u32 s26  }
0xd3: {  	v21 =	vld [tilespmem:s26+$0xFFFFFF80];
	[tilespmem:s24+$0xF0] =	vst v4  }
0xd4: {  	v22 =	vld [tilespmem:s22+$0xFFFFFF80]  }
0xd5: {  	v5 =	vld [tilespmem:s22+$0x50];
	v4 =	vmul.f32 v7, v6  }
0xd6: {  	v23 =	vld [tilespmem:s22+$0x40]  }
0xd7: {  	v7 =	vmul.f32 v10, v1;
	v1 =	vmovc v16;
	v6 =	vld [tilespmem:s26+$0x100];
	v10 =	vmul.f32 v20, v2;
	[tilespmem:s24+$0x70] =	vst v4;
	v2 =	vmov v18  }
0xd8: {  	v13 =	vmul.f32 v13, v19;
	v4 =	vld [tilespmem:s22+$0x30];
	[tilespmem:s24+$0xFFFFFF70] =	vst v11  }
0xd9: {  	v11 =	vld [tilespmem:s22+$0x60];
	[tilespmem:s24+$0xFFFFFFF0] =	vst v10  }
0xda: {  	v15 =	vmul.f32 v15, v12;
	v10 =	vld [tilespmem:s22+$0x20];
	[tilespmem:s24+$0xFFFFFEF0] =	vst v7;
	s24 =	smov.u32 s23  }
0xdb: {  	v7 =	vmul.f32 v17, v22;
	[tilespmem:s23+$0xFFFFFF00] =	vst v13;
	v13 =	vld [tilespmem:s22+$0x0]  }
0xdc: {  	[tilespmem:s23+$0xFFFFFE80] =	vst v15;
	v6 =	vmul.f32 v6, v23;
	v15 =	vld [tilespmem:s26+$0x180]  }
0xdd: {  	[tilespmem:s23+$0xFFFFFE00] =	vst v7;
	v7 =	vld [tilespmem:s26+$0x0]  }
0xde: {  	v16 =	vld [tilespmem:s26+$0xFFFFFF10];
	[tilespmem:s23+$0x100] =	vst v6  }
0xdf: {  	v17 =	vld [tilespmem:s26+$0xFFFFFE90];
	v14 =	vmul.f32 v14, v10  }
0xe0: {  	v18 =	vld [tilespmem:s26+$0xFFFFFE10]  }
0xe1: {  	v20 =	vld [tilespmem:s26+$0x110];
	v15 =	vmul.f32 v15, v11  }
0xe2: {  	v24 =	vmul.f32 v7, v13;
	v7 =	vld [tilespmem:s22+$0x70]  }
0xe3: {  	v16 =	vmul.f32 v16, v19;
	v6 =	vld [tilespmem:s22+$0x10];
	[tilespmem:s23+$0x180] =	vst v15  }
0xe4: {  	v15 =	vmul.f32 v17, v12;
	[tilespmem:s23+$0x0] =	vst v24;
	v17 =	vld [tilespmem:s26+$0x190]  }
0xe5: {  	v18 =	vmul.f32 v18, v22;
	[tilespmem:s23+$0xFFFFFF10] =	vst v16;
	v16 =	vld [tilespmem:s26+$0x10]  }
0xe6: {  	v21 =	vmul.f32 v21, v9;
	[tilespmem:s23+$0xFFFFFE90] =	vst v15;
	v15 =	vld [tilespmem:s26+$0xFFFFFF20];
	v20 =	vmul.f32 v20, v23  }
0xe7: {  	[tilespmem:s23+$0xFFFFFE10] =	vst v18;
	v18 =	vld [tilespmem:s26+$0xFFFFFEA0]  }
0xe8: {  	v24 =	vld [tilespmem:s26+$0xFFFFFE20];
	[tilespmem:s23+$0x80] =	vst v14  }
0xe9: {  	[tilespmem:s23+$0xFFFFFF80] =	vst v21;
	v14 =	vld [tilespmem:s26+$0x90];
	v17 =	vmul.f32 v17, v11  }
0xea: {  	v21 =	vld [tilespmem:s26+$0xFFFFFF90];
	v16 =	vmul.f32 v16, v13;
	[tilespmem:s23+$0x110] =	vst v20  }
0xeb: {  	v15 =	vmul.f32 v15, v19;
	v20 =	vld [tilespmem:s26+$0x120];
	[tilespmem:s23+$0x190] =	vst v17  }
0xec: {  	v17 =	vmul.f32 v18, v12;
	[tilespmem:s23+$0x10] =	vst v16;
	v16 =	vld [tilespmem:s26+$0x1A0]  }
0xed: {  	v18 =	vmul.f32 v24, v22;
	[tilespmem:s23+$0xFFFFFF20] =	vst v15;
	v15 =	vld [tilespmem:s26+$0x20]  }
0xee: {  	[tilespmem:s23+$0xFFFFFEA0] =	vst v17;
	v17 =	vld [tilespmem:s26+$0xFFFFFF30];
	v14 =	vmul.f32 v14, v10  }
0xef: {  	[tilespmem:s23+$0xFFFFFE20] =	vst v18;
	v18 =	vld [tilespmem:s26+$0xFFFFFEB0];
	v21 =	vmul.f32 v21, v9  }
0xf0: {  	v24 =	vld [tilespmem:s26+$0xFFFFFE30];
	[tilespmem:s23+$0x90] =	vst v14;
	v14 =	vmul.f32 v20, v23  }
0xf1: {  	v16 =	vmul.f32 v16, v11  }
0xf2: {  	v15 =	vmul.f32 v15, v13;
	v20 =	vld [tilespmem:s26+$0xA0];
	[tilespmem:s23+$0x120] =	vst v14  }
0xf3: {  	v14 =	vmul.f32 v17, v19;
	[tilespmem:s23+$0xFFFFFF90] =	vst v21;
	v17 =	vld [tilespmem:s26+$0x130]  }
0xf4: {  	v12 =	vmul.f32 v18, v12;
	v18 =	vld [tilespmem:s26+$0xFFFFFFA0];
	[tilespmem:s23+$0x20] =	vst v15  }
0xf5: {  	v15 =	vmul.f32 v24, v22;
	[tilespmem:s23+$0xFFFFFF30] =	vst v14;
	v14 =	vld [tilespmem:s26+$0x30]  }
0xf6: {  	[tilespmem:s23+$0xFFFFFEB0] =	vst v12;
	v12 =	vld [tilespmem:s26+$0xFFFFFF40]  }
0xf7: {  	v19 =	vld [tilespmem:s26+$0xFFFFFEC0];
	v20 =	vmul.f32 v20, v10;
	[tilespmem:s23+$0x1A0] =	vst v16  }
0xf8: {  	[tilespmem:s23+$0xFFFFFE30] =	vst v15;
	v15 =	vmul.f32 v17, v23;
	v16 =	vld [tilespmem:s26+$0x1B0]  }
0xf9: {  	v17 =	vld [tilespmem:s26+$0xFFFFFE40];
	v18 =	vmul.f32 v18, v9;
	[tilespmem:s23+$0xA0] =	vst v20  }
0xfa: {  	v13 =	vmul.f32 v14, v13;
	v14 =	vld [tilespmem:s26+$0xB0];
	[tilespmem:s23+$0x130] =	vst v15  }
0xfb: {  	v12 =	vmul.f32 v12, v8;
	[tilespmem:s23+$0xFFFFFFA0] =	vst v18;
	v15 =	vld [tilespmem:s26+$0x140]  }
0xfc: {  	v18 =	vmul.f32 v19, v1;
	v19 =	vld [tilespmem:s26+$0xFFFFFFB0];
	[tilespmem:s23+$0x30] =	vst v13  }
0xfd: {  	[tilespmem:s23+$0xFFFFFF40] =	vst v12;
	v12 =	vld [tilespmem:s26+$0x40];
	v11 =	vmul.f32 v16, v11  }
0xfe: {  	v13 =	vmul.f32 v17, v3;
	[tilespmem:s23+$0xFFFFFEC0] =	vst v18;
	v16 =	vld [tilespmem:s26+$0xFFFFFF50]  }
0xff: {  	v17 =	vld [tilespmem:s26+$0xFFFFFED0];
	v10 =	vmul.f32 v14, v10;
	[tilespmem:s23+$0x1B0] =	vst v11  }
0x100: {  	[tilespmem:s23+$0xFFFFFE40] =	vst v13;
	v11 =	vmul.f32 v15, v5;
	v13 =	vld [tilespmem:s26+$0x1C0]  }
0x101: {  	v14 =	vld [tilespmem:s26+$0xFFFFFE50];
	v9 =	vmul.f32 v19, v9;
	[tilespmem:s23+$0xB0] =	vst v10  }
0x102: {  	v10 =	vmul.f32 v12, v6;
	v12 =	vld [tilespmem:s26+$0xC0];
	[tilespmem:s23+$0x140] =	vst v11  }
0x103: {  	v11 =	vmul.f32 v16, v8;
	[tilespmem:s23+$0xFFFFFFB0] =	vst v9;
	v9 =	vld [tilespmem:s26+$0x150]  }
0x104: {  	v15 =	vmul.f32 v17, v1;
	v16 =	vld [tilespmem:s26+$0xFFFFFFC0];
	[tilespmem:s23+$0x40] =	vst v10  }
0x105: {  	[tilespmem:s23+$0xFFFFFF50] =	vst v11;
	v10 =	vld [tilespmem:s26+$0x50];
	v11 =	vmul.f32 v13, v7  }
0x106: {  	v13 =	vmul.f32 v14, v3;
	[tilespmem:s23+$0xFFFFFED0] =	vst v15;
	v14 =	vld [tilespmem:s26+$0xFFFFFF60]  }
0x107: {  	v15 =	vld [tilespmem:s26+$0xFFFFFEE0];
	v12 =	vmul.f32 v12, v4  }
0x108: {  	v9 =	vmul.f32 v9, v5;
	[tilespmem:s23+$0x1C0] =	vst v11  }
0x109: {  	[tilespmem:s23+$0xFFFFFE50] =	vst v13;
	v11 =	vmul.f32 v16, v2;
	v13 =	vld [tilespmem:s26+$0x1D0]  }
0x10a: {  	v16 =	vld [tilespmem:s26+$0xFFFFFE60];
	v10 =	vmul.f32 v10, v6;
	[tilespmem:s23+$0x150] =	vst v9  }
0x10b: {  	v9 =	vmul.f32 v14, v8;
	[tilespmem:s23+$0xC0] =	vst v12;
	v12 =	vld [tilespmem:s26+$0x160]  }
0x10c: {  	v14 =	vmul.f32 v15, v1;
	[tilespmem:s23+$0x50] =	vst v10;
	v15 =	vld [tilespmem:s26+$0xD0]  }
0x10d: {  	[tilespmem:s23+$0xFFFFFF60] =	vst v9;
	v17 =	vld [tilespmem:s26+$0x60]  }
0x10e: {  	v18 =	vld [tilespmem:s26+$0xFFFFFF70];
	[tilespmem:s23+$0xFFFFFFC0] =	vst v11;
	v9 =	vmul.f32 v13, v7  }
0x10f: {  	v11 =	vmul.f32 v16, v3;
	[tilespmem:s23+$0xFFFFFEE0] =	vst v14;
	v14 =	vld [tilespmem:s26+$0xFFFFFFD0]  }
.Ltmp1:
0x110: {  	v10 =	vld [tilespmem:s26+$0xFFFFFEF0];
	v12 =	vmul.f32 v12, v5;
	[tilespmem:s23+$0x1D0] =	vst v9;
	(pc) =	sbr.rel @p1 .LBB2_5-.Ltmp1, $4  }
0x111: {  	[tilespmem:s23+$0xFFFFFE60] =	vst v11;
	v15 =	vmul.f32 v15, v4;
	v13 =	vld [tilespmem:s26+$0x1E0]  }
0x112: {  	v9 =	vld [tilespmem:s26+$0xFFFFFE70];
	v16 =	vmul.f32 v17, v6;
	[tilespmem:s23+$0x160] =	vst v12  }
0x113: {  	v11 =	vmul.f32 v18, v8;
	[tilespmem:s23+$0xD0] =	vst v15;
	v12 =	vld [tilespmem:s26+$0x170]  }
0x114: {  	s26 =	sadd.s32 $0x400, s26;
	v14 =	vmul.f32 v14, v2;
	[tilespmem:s23+$0x60] =	vst v16;
	v8 =	vld [tilespmem:s21+$0xE0]  }
0x115: {  	_ = 	snop  }
0x116: {  	[tilespmem:s24+$0xFFFFFFD0] =	vst v14  }
0x117: {  	v14 =	vld [tilespmem:s21+$0xFFFFFFE0]  }
0x118: {  	v13 =	vmul.f32 v13, v7;
	_ =	sdelay $0x1  }
0x119: {  	[tilespmem:s24+$0x1E0] =	vst v13  }
0x11a: {  	v8 =	vmul.f32 v8, v4;
	v13 =	vld [tilespmem:s21+$0x1F0]  }
0x11b: {  	v14 =	vmul.f32 v14, v2  }
0x11c: {  	v15 =	vld [tilespmem:s21+$0x70];
	[tilespmem:s24+$0xE0] =	vst v8  }
0x11d: {  	v3 =	vmul.f32 v9, v3;
	v8 =	vld [tilespmem:s21+$0xF0];
	[tilespmem:s24+$0xFFFFFFE0] =	vst v14  }
0x11e: {  	v1 =	vmul.f32 v10, v1;
	[tilespmem:s24+$0xFFFFFF70] =	vst v11;
	v62 =	vld [tilespmem:s21+$0xFFFFFFF0]  }
0x11f: {  	[tilespmem:s24+$0xFFFFFE70] =	vst v3;
	v3 =	vmul.f32 v13, v7  }
0x120: {  	[tilespmem:s24+$0xFFFFFEF0] =	vst v1;
	v5 =	vmul.f32 v12, v5  }
0x121: {  	[tilespmem:s24+$0x1F0] =	vst v3;
	v3 =	vmul.f32 v15, v6  }
0x122: {  	[tilespmem:s24+$0x170] =	vst v5;
	v63 =	vmul.f32 v8, v4  }
0x123: {  	s20 =	sadd.s32 $0x1, s20;
	[tilespmem:s24+$0x70] =	vst v3;
	v2 =	vmul.f32 v62, v2  }
0x124: {  	p1 =	sne.s32 s20, $0x7D;
	[tilespmem:s24+$0xF0] =	vst v63  }
.Ltmp2:
0x125: {  	[tilespmem:s24+$0xFFFFFFF0] =	vst v2;
	(pc) =	sbr.rel @p1 .LBB2_4-.Ltmp2, $4  }
0x126: {  	[spmem:s11] =	stream.indirect.scatter.add.f32 [tilespmem:s18], [sflag:$0x2], $0x80, s7, s8, $0xb8;
	[tilespmem:$0x1BB20] =	vst v63  }
0x127: {  	_ =	swait.ge [sflag:s5], $0x2800  }
0x128: {  	[sflag:s5] =	ssyncset.done $0x0  }
0x129: {  	[sflag:s5] =	ssyncadd.s32 $0xFFFFD800  }
0x12a: {  	s20 =	stileid.u32;
	[bflag:$0x0] =	sbarrier.arrive $0xFFFF  }
0x12b: {  	s20 =	sshll.u32 s20, $0x6;
	s21 =	rddreg [dreg:$0x4]  }
0x12c: {  	s22 =	rddreg [dreg:$0x15];
	s20 =	sor.u32 $0x1C02, s20  }
0x12d: {  	[hbm:s21], [sflag:s20] =	dma.local [spmem:s22], $0x500  }
0x12e: {  	_ =	swait.ge [sflag:s5], $0x500  }
0x12f: {  	[sflag:s5] =	ssyncset.done $0x0  }
0x130: {  	s25 =	rddreg [dreg:$0x5];
	[sflag:s5] =	ssyncadd.s32 $0xFFFFFB00  }
0x131: {  	[hbm:s25], [sflag:s20] =	dma.local [spmem:s28], $0x500  }
0x132: {  	_ =	swait.ge [sflag:s5], $0x500  }
0x133: {  	[sflag:s5] =	ssyncset.done $0x0  }
0x134: {  	s26 =	rddreg [dreg:$0x6];
	[sflag:s5] =	ssyncadd.s32 $0xFFFFFB00  }
0x135: {  	[hbm:s26], [sflag:s20] =	dma.local [spmem:s29], $0x500  }
0x136: {  	_ =	swait.ge [sflag:s5], $0x500  }
0x137: {  	[sflag:s5] =	ssyncset.done $0x0  }
0x138: {  	s22 =	rddreg [dreg:$0x7];
	[sflag:s5] =	ssyncadd.s32 $0xFFFFFB00  }
0x139: {  	[hbm:s22], [sflag:s20] =	dma.local [spmem:s30], $0x500  }
0x13a: {  	_ =	swait.ge [sflag:s5], $0x500  }
0x13b: {  	[sflag:s5] =	ssyncset.done $0x0  }
0x13c: {  	s23 =	rddreg [dreg:$0x8];
	[sflag:s5] =	ssyncadd.s32 $0xFFFFFB00  }
0x13d: {  	[hbm:s23], [sflag:s20] =	dma.local [spmem:s31], $0x500  }
0x13e: {  	_ =	swait.ge [sflag:s5], $0x500  }
0x13f: {  	[sflag:s5] =	ssyncset.done $0x0  }
0x140: {  	s24 =	rddreg [dreg:$0x9];
	[sflag:s5] =	ssyncadd.s32 $0xFFFFFB00  }
0x141: {  	[hbm:s24], [sflag:s20] =	dma.local [spmem:s10], $0x500  }
0x142: {  	_ =	swait.ge [sflag:s5], $0x500  }
0x143: {  	[sflag:s5] =	ssyncset.done $0x0  }
0x144: {  	s25 =	rddreg [dreg:$0xa];
	[sflag:s5] =	ssyncadd.s32 $0xFFFFFB00  }
0x145: {  	[hbm:s25], [sflag:s20] =	dma.local [spmem:s0], $0x500  }
0x146: {  	_ =	swait.ge [sflag:s5], $0x500  }
0x147: {  	[sflag:s5] =	ssyncset.done $0x0  }
0x148: {  	s21 =	rddreg [dreg:$0xb];
	[sflag:s5] =	ssyncadd.s32 $0xFFFFFB00  }
0x149: {  	[hbm:s21], [sflag:s20] =	dma.local @!p0 [spmem:s3], $0x500  }
0x14a: {  	s20 =	simm.s32 @!p0 $0x2  }
0x14b: {  	_ =	swait.ge @!p0 [sflag:s20], $0x500  }
0x14c: {  	s19 =	sadd.s32 $0x1, s19;
	s26 =	rddreg [dreg:$0xc]  }
0x14d: {  	p1 =	sne.s32 s19, s26  }
.Ltmp3:
0x14e: {  	_ = 	snop;
	(pc) =	sbr.rel @p1 .LBB2_1-.Ltmp3, $3  }
0x14f: {  	_ =	sdelay $0x1  }
0x150: {  	[sflag:s20] =	ssyncset.done @!p0 $0x0  }
0x151: {  	[sflag:s20] =	ssyncadd.s32 @!p0 $0xFFFFFB00  }
0x152: {  	_ =	sfence.sel $0x180000  }
0x153: {  	[bflag:$0x0] =	sbarrier.arrive $0xFFFF  }
0x154: {  	_ =	strace $0x9000004A  }
0x155: {  	s0 =	stileid.u32;
	[bflag:$0x2] =	sbarrier.arrive $0xFFFF  }
0x156: {  	p0 =	sne.s32 s0, $0x0;
	s0 =	rddreg [dreg:$0x3]  }
0x157: {  	s0 =	sadd.s32 @!p0 $0x100000, s0  }
0x158: {  	[sflag:s0] =	ssyncadd.tile.s32 @!p0 $0x1;
	_ =	shalt  }
.Lfunc_end2:
_tile_overlayer_lowered:
.L_overlay_start_2:
0x159: {  	(tag) =	ssettag $0x2  }
0x15a: {  	s0 =	rddreg [dreg:$0x0];
	s2 =	stileid.u32  }
0x15b: {  	s1 =	rddreg [dreg:$0x1];
	p0 =	sne.s32 s2, $0x0  }
0x15c: {  	s3 =	rddreg [dreg:$0x2];
	[bflag:$0x3] =	sbarrier.arrive $0xFFFF;
	s2 =	simm.s32 @!p0 $0x1C02  }
0x15d: {  	[timem:s3], [sflag:s2] =	dma.local @!p0 [hbm:s0], s1  }
0x15e: {  	s0 =	simm.s32 @!p0 $0x2  }
0x15f: {  	_ =	swait.ge @!p0 [sflag:s0], s1  }
0x160: {  	s1 =	ssub.s32 @!p0 $0x0, s1;
	[sflag:s0] =	ssyncset.done @!p0 $0x0  }
0x161: {  	[sflag:s0] =	ssyncadd.s32 @!p0 s1  }
0x162: {  	[bflag:$0x3] =	sbarrier.arrive $0xFFFF  }
0x163: {  	_ =	shalt  }

// kernel: kernel.7.cloned.1.call-start
scs
__scs_entry_jumppad:
0x0: {  	(pc) =	sbr.rel $0x88, $3  }
0x1: {  	(tag) =	ssettag $0x0;
	lr =	simm.s32 $0x1  }
0x2: {  	[smem:$0x3F91] =	sst lr;
	_ =	strace $0xD0000000  }
0x3: {  	_ = 	snop  }
0x4: {  	_ = 	snop  }
0x5: {  	_ = 	snop  }
0x6: {  	_ = 	snop  }
0x7: {  	_ = 	snop  }
__scs_overlays_trampoline_lowered:
0x8: {  	[smem:$0x3FA0] =	sst s0  }
0x9: {  	[smem:$0x3FA1] =	sst s1  }
0xa: {  	[smem:$0x3FA2] =	sst s2  }
0xb: {  	[smem:$0x3FA3] =	sst s3  }
0xc: {  	[smem:$0x3FA4] =	sst s4  }
0xd: {  	[smem:$0x3FA5] =	sst s5  }
0xe: {  	[smem:$0x3FA6] =	sst s6  }
0xf: {  	[smem:$0x3FA7] =	sst s7  }
0x10: {  	[smem:$0x3FA8] =	sst s8  }
0x11: {  	[smem:$0x3FA9] =	sst s9;
	s0 =	simm.s32 @!p0 $0x0  }
0x12: {  	s1 =	sld [smem:$0x3F8F];
	s0 =	simm.s32 @p0 $0x1  }
0x13: {  	[smem:$0x3FAA] =	sst s0;
	s0 =	simm.s32 @!p1 $0x0  }
0x14: {  	s2 =	sld [smem:$0x3F8E];
	s0 =	simm.s32 @p1 $0x1  }
0x15: {  	[smem:$0x3FAB] =	sst s0;
	s0 =	simm.s32 @!p2 $0x0  }
0x16: {  	s3 =	sld [smem:$0x3FDB];
	s0 =	simm.s32 @p2 $0x1  }
0x17: {  	s4 =	simm.s32 $0x1BF5;
	[smem:$0x3FAD] =	sst s0  }
0x18: {  	s0 =	sld [smem:$0x3F90];
	_ =	swait.ge [sflag:s4], $0x0  }
0x19: {  	s7 =	sld [smem:$0x3F91]  }
0x1a: {  	s8 =	sadd.s32 $0xFFFFE003, lr  }
0x1b: {  	s9 =	sadd.s32 $0xFFFFFEF7, lr;
	s5 =	simm.s32 $0xFFFFFFFF;
	p2 =	slt.u32 s8, $0xFFFFF086  }
0x1c: {  	p1 =	slt.u32 s9, $0xF7A;
	s5 =	simm.s32 @!p2 $0x0  }
0x1d: {  	s5 =	simm.s32 @p1 $0x1;
	p0 =	seq.s32 s7, s2  }
0x1e: {  	s7 =	smul.u32 @!p0 $0xF7A, s2;
	p2 =	seq.s32 @!p0 s5, $0x0  }
0x1f: {  	s9 =	smul.u32 $0xF7A, s1;
	s8 =	simm.s32 @!p0 $0x1BF5;
	p2 =	por !p2, p0  }
0x20: {  	[sflag:s8] =	ssyncset.s32 @!p0 $0xFFFFF086;
	s6 =	sadd.s32 @!p0 s3, s7;
	s7 =	simm.s32 @!p0 $0x108  }
0x21: {  	s3 =	sadd.s32 s3, s9;
	s6 =	sadd.s32 @!p0 $0x88, s6;
	s7 =	simm.s32 @p2 $0x1082  }
0x22: {  	[simem:s7], [sflag:s8] =	dma.local @!p0 [hbm:s6], $0xF7A  }
0x23: {  	s9 =	sor.u32 $0xD0000000, s2;
	s6 =	simm.s32 $0x108;
	_ =	swait.ge @!p0 [sflag:s8], $0x0  }
0x24: {  	s3 =	sadd.s32 $0x88, s3;
	s6 =	simm.s32 @!p1 $0x1082;
	[sflag:s4] =	ssyncset.s32 $0xFFFFF086  }
0x25: {  	[simem:s6], [sflag:s4] =	dma.local [hbm:s3], $0xF7A  }
0x26: {  	[smem:$0x3F91] =	sst s1;
	(tag) =	ssettag s2;
	_ =	strace s9  }
0x27: {  	s1 =	sld [smem:$0x3FA1]  }
0x28: {  	s2 =	sld [smem:$0x3FA2]  }
0x29: {  	s4 =	sld [smem:$0x3FA4]  }
0x2a: {  	p0 =	seq.s32 s5, $0x0;
	s5 =	sld [smem:$0x3FA5]  }
0x2b: {  	s6 =	sld [smem:$0x3FA6]  }
0x2c: {  	s7 =	sld [smem:$0x3FA7]  }
0x2d: {  	s3 =	simm.s32 $0x108;
	s8 =	sld [smem:$0x3FA8]  }
0x2e: {  	s3 =	simm.s32 @!p0 $0x1082;
	s9 =	sld [smem:$0x3FA9]  }
0x2f: {  	lr =	sadd.s32 s0, s3;
	s0 =	sld [smem:$0x3FA0]  }
0x30: {  	s3 =	sld [smem:$0x3FA3]  }
0x31: {  	[smem:$0x3FAC] =	sst s10  }
0x32: {  	s10 =	sld [smem:$0x3FAA];
	_ =	sdelay $0x3  }
0x33: {  	p0 =	seq.s32 s10, $0x1;
	s10 =	sld [smem:$0x3FAC];
	_ =	sdelay $0x3  }
0x34: {  	[smem:$0x3FAC] =	sst s10  }
0x35: {  	s10 =	sld [smem:$0x3FAB];
	_ =	sdelay $0x3  }
0x36: {  	p1 =	seq.s32 s10, $0x1;
	s10 =	sld [smem:$0x3FAC];
	_ =	sdelay $0x3  }
0x37: {  	[smem:$0x3FAC] =	sst s10  }
0x38: {  	s10 =	sld [smem:$0x3FAD]  }
0x39: {  	_ = 	snop;
	(pc) =	sbr.ind lr, $3  }
0x3a: {  	_ = 	snop  }
0x3b: {  	_ = 	snop  }
0x3c: {  	p2 =	seq.s32 s10, $0x1;
	s10 =	sld [smem:$0x3FAC]  }
0x3d: {  	_ =	shalt  }
0x3e: {  	_ =	shalt  }
0x3f: {  	_ =	shalt  }
0x40: {  	_ =	shalt  }
0x41: {  	_ =	shalt  }
0x42: {  	_ =	shalt  }
0x43: {  	_ =	shalt  }
0x44: {  	_ =	shalt  }
0x45: {  	_ =	shalt  }
0x46: {  	_ =	shalt  }
0x47: {  	_ =	shalt  }
0x48: {  	_ =	shalt  }
0x49: {  	_ =	shalt  }
0x4a: {  	_ =	shalt  }
0x4b: {  	_ =	shalt  }
0x4c: {  	_ =	shalt  }
0x4d: {  	_ =	shalt  }
0x4e: {  	_ =	shalt  }
0x4f: {  	_ =	shalt  }
0x50: {  	_ =	shalt  }
0x51: {  	_ =	shalt  }
0x52: {  	_ =	shalt  }
0x53: {  	_ =	shalt  }
0x54: {  	_ =	shalt  }
0x55: {  	_ =	shalt  }
0x56: {  	_ =	shalt  }
0x57: {  	_ =	shalt  }
0x58: {  	_ =	shalt  }
0x59: {  	_ =	shalt  }
0x5a: {  	_ =	shalt  }
0x5b: {  	_ =	shalt  }
0x5c: {  	_ =	shalt  }
0x5d: {  	_ =	shalt  }
0x5e: {  	_ =	shalt  }
0x5f: {  	_ =	shalt  }
0x60: {  	_ =	shalt  }
0x61: {  	_ =	shalt  }
0x62: {  	_ =	shalt  }
0x63: {  	_ =	shalt  }
0x64: {  	_ =	shalt  }
0x65: {  	_ =	shalt  }
0x66: {  	_ =	shalt  }
0x67: {  	_ =	shalt  }
0x68: {  	_ =	shalt  }
0x69: {  	_ =	shalt  }
0x6a: {  	_ =	shalt  }
0x6b: {  	_ =	shalt  }
0x6c: {  	_ =	shalt  }
0x6d: {  	_ =	shalt  }
0x6e: {  	_ =	shalt  }
0x6f: {  	_ =	shalt  }
0x70: {  	_ =	shalt  }
0x71: {  	_ =	shalt  }
0x72: {  	_ =	shalt  }
0x73: {  	_ =	shalt  }
0x74: {  	_ =	shalt  }
0x75: {  	_ =	shalt  }
0x76: {  	_ =	shalt  }
0x77: {  	_ =	shalt  }
0x78: {  	_ =	shalt  }
0x79: {  	_ =	shalt  }
0x7a: {  	_ =	shalt  }
0x7b: {  	_ =	shalt  }
0x7c: {  	_ =	shalt  }
0x7d: {  	_ =	shalt  }
0x7e: {  	_ =	shalt  }
0x7f: {  	_ =	shalt  }
0x80: {  	_ =	shalt  }
0x81: {  	_ =	shalt  }
0x82: {  	_ =	shalt  }
0x83: {  	_ =	shalt  }
0x84: {  	_ =	shalt  }
0x85: {  	_ =	shalt  }
0x86: {  	_ =	shalt  }
0x87: {  	_ =	shalt  }
.Lfunc_end0:
.L_simem_size_0:
called_computation_lowered:
.L_overlay_start_0:
0x88: {  	s2 =	sld [smem:$0x3FD9]  }
0x89: {  	s3 =	sld [smem:$0x3FFE];
	_ =	sdelay $0x1  }
0x8a: {  	s1 =	srdreg.scid  }
0x8b: {  	s0 =	sand.u32 $0x1, s1  }
0x8c: {  	s16 =	sshll.u32 s0, $0xA;
	s2 =	sadd.s32 s3, s2  }
0x8d: {  	s2 =	sadd.s32 s2, s16  }
0x8e: {  	[smem:$0x3FB8] =	sst s2  }
0x8f: {  	_ = 	snop  }
0x90: {  	(tm) =	ssettm $0x1  }
0x91: {  	s17 =	sld [smem:$0x3FFB];
	_ =	sdelay $0x3  }
0x92: {  	_ =	strace s17  }
0x93: {  	s2 =	sld [smem:$0x3FFC];
	_ =	sdelay $0x3  }
0x94: {  	_ =	strace s2  }
0x95: {  	s2 =	sld [smem:$0x3FFD];
	_ =	sdelay $0x3  }
0x96: {  	_ =	strace s2  }
0x97: {  	_ =	strace $0x8FFFFFFF  }
0x98: {  	s18 =	sld [smem:$0x3FDB];
	_ =	sdelay $0x1  }
0x99: {  	s19 =	simm.s32 $_scs_section_size  }
0x9a: {  	s4 =	simm.s32 $_size__tile_overlayer_lowered;
	s5 =	simm.s32 $_tile_overlayer_lowered  }
0x9b: {  	s22 =	simm.s32 $0x1BFF;
	s21 =	sshll.u32 s5, $0x1;
	s2 =	sadd.s32 s19, s18  }
0x9c: {  	s6 =	simm.s32 $0x0;
	s20 =	sshll.u32 s4, $0x1;
	s4 =	sadd.s32 s21, s2  }
0x9d: {  	[timem:s6], [sflag:s22] =	dma.local [hbm:s4], s20  }
0x9e: {  	_ =	swait.ge [sflag:s22], s20  }
0x9f: {  	s3 =	ssub.s32 $0x0, s20;
	[sflag:s22] =	ssyncset.done $0x0  }
0xa0: {  	[sflag:s22] =	ssyncadd.s32 s3;
	_ =	sdelay $0x1  }
0xa1: {  	s23 =	simm.s32 $0x1B8B  }
0xa2: {  	_ =	swait.ge [sflag:s23], $0x1  }
0xa3: {  	[sflag:s23] =	ssyncset.done $0x0  }
0xa4: {  	s25 =	simm.s32 $0x1B8E;
	s24 =	sld [smem:$0x3FFE];
	[sflag:s23] =	ssyncadd.s32 $0xFFFFFFFF  }
0xa5: {  	s26 =	simm.s32 $execute0_lowered;
	[smem:$0x3FD2] =	sst s25  }
0xa6: {  	s4 =	sshll.u32 s26, $0x1;
	_ =	strace $0x80000046;
	[dreg:$0x1] =	wrdreg $0xFFFFFFFF  }
0xa7: {  	s28 =	simm.s32 $_size_execute0_lowered;
	s2 =	sadd.s32 s2, s4;
	[dreg:$0x0] =	wrdreg $0x0  }
0xa8: {  	s4 =	sshll.u32 s28, $0x1;
	[dreg:$0x2] =	wrdreg s2  }
0xa9: {  	[dreg:$0x3] =	wrdreg s4  }
0xaa: {  	[dreg:$0x4] =	wrdreg $0xC0  }
0xab: {  	_ =	task [dreg:s6], $0x5FFFF  }
0xac: {  	[dreg:$0x1] =	wrdreg $0xFFFFFFFF  }
0xad: {  	[dreg:$0x0] =	wrdreg $0x60  }
0xae: {  	[dreg:$0x2] =	wrdreg s24  }
0xaf: {  	[dreg:$0x3] =	wrdreg $0x0  }
0xb0: {  	[dreg:$0x4] =	wrdreg $0x9  }
0xb1: {  	_ =	task.clear_ibuf [dreg:s6], $0x5FFFF;
	_ =	strace $0x90000046  }
0xb2: {  	s29 =	simm.s32 $0x9;
	_ =	strace $0x80000048  }
0xb3: {  	_ =	swait.ge [sflag:s29], $0x1  }
0xb4: {  	[sflag:s29] =	ssyncadd.s32 $0xFFFFFFFF  }
0xb5: {  	_ =	strace $0x90000048  }
0xb6: {  	_ =	sfence  }
0xb7: {  	s30 =	sld [smem:$0x0];
	_ =	sdelay $0x2  }
0xb8: {  	s31 =	sshll.u32 s1, $0xD;
	s1 =	sshrl.u32 s1, $0x2  }
0xb9: {  	s3 =	sand.u32 $0x4000, s31;
	s1 =	sadd.s32 s1, s30  }
0xba: {  	s0 =	sor.u32 s3, s0;
	s1 =	sshll.u32 s1, $0x11  }
0xbb: {  	s0 =	sor.u32 s1, s0  }
0xbc: {  	s0 =	sadd.s32 $0x8F2B, s0  }
0xbd: {  	[sflag:s0] =	ssyncadd.remote.s32 $0x1  }
0xbe: {  	_ =	sfence.sel $0xFFFF  }
0xbf: {  	[dreg:$0x0] =	wrdreg $0xFFFFFFFF;
	(pc) =	sbr.abs _section_cstart, $3  }
0xc0: {  	[dreg:$0x1] =	wrdreg $0xFFFFFFFF  }
0xc1: {  	_ =	task.clear_ibuf [dreg:s6], $0x2FFFF;
	_ =	strace $0x9FFFFFFF  }
0xc2: {  	(tm) =	ssettm $0x7FFFFFFF  }
0xc3: {  	_ =	shalt  }
tec
execute0_lowered:
.L_overlay_start_1:
0x0: {  	(tag) =	ssettag $0x1  }
0x1: {  	s0 =	srdreg.scid  }
0x2: {  	s17 =	stileid.u32;
	s0 =	sand.u32 $0x1, s0  }
0x3: {  	s26 =	sshll.u32 s17, $0x1;
	s20 =	sor.u32 $0x40, s17;
	s9 =	smul.u32 $0xC3500, s0  }
0x4: {  	s2 =	ssub.s32 $0x2, s0;
	s8 =	sor.u32 s0, s26;
	s0 =	smul.u32 $0x1900, s17  }
0x5: {  	s5 =	rddreg [dreg:$0x0];
	s21 =	sor.u32 $0x50, s17;
	s24 =	smul.u32 $0x1900, s20  }
0x6: {  	s1 =	simm.s32 $0x0;
	s22 =	sor.u32 $0x60, s17;
	s25 =	smul.u32 $0x1900, s21  }
0x7: {  	[smem:$0x7FF] =	sst s1;
	s6 =	sadd.s32 $0x53600, s5;
	s26 =	smul.u32 $0x1900, s22  }
0x8: {  	s10 =	sor.u32 $0x10, s17;
	s11 =	sor.u32 $0x20, s17;
	s20 =	smul.u32 $0x6400, s20  }
0x9: {  	s19 =	sor.u32 $0x30, s17;
	s21 =	smul.u32 $0x6400, s21;
	s3 =	sshrl.u32 s2, $0x1  }
0xa: {  	s23 =	sor.u32 $0x70, s17;
	s7 =	ssub.s32 s2, s3;
	s2 =	smul.u32 $0x1900, s10  }
0xb: {  	p0 =	sgt.u32 s23, $0x7C;
	s4 =	sadd.s32 s9, s0;
	s3 =	smul.u32 $0x1900, s11  }
0xc: {  	s16 =	sadd.s32 s9, s26;
	s12 =	sshrl.u32 s4, $0x3;
	s4 =	smul.u32 $0x1900, s19  }
0xd: {  	s7 =	smax.u32 s7, $0x1;
	s19 =	smul.u32 $0x6400, s19;
	s12 =	sadd.s32 s6, s12  }
0xe: {  	s13 =	sadd.s32 s9, s2;
	s29 =	sadd.s32 s9, s3;
	[dreg:$0x3] =	wrdreg s12  }
0xf: {  	s28 =	sshrl.u32 s13, $0x3;
	s14 =	sadd.s32 s9, s4;
	s13 =	sshrl.u32 s29, $0x3  }
0x10: {  	s14 =	sshrl.u32 s14, $0x3;
	s12 =	sadd.s32 s6, s28;
	s30 =	sadd.s32 s6, s13  }
0x11: {  	s13 =	sadd.s32 s9, s24;
	s28 =	smul.u32 $0x1900, s23;
	[dreg:$0x4] =	wrdreg s12  }
0x12: {  	[dreg:$0x5] =	wrdreg s30;
	s31 =	sadd.s32 s6, s14;
	s30 =	smul.u32 $0x6400, s10  }
0x13: {  	s14 =	sadd.s32 s9, s25;
	s12 =	sshrl.u32 s13, $0x3;
	s10 =	smul.u32 $0x6400, s11  }
0x14: {  	[dreg:$0x6] =	wrdreg s31;
	s13 =	sshrl.u32 s14, $0x3;
	s12 =	sadd.s32 s6, s12  }
0x15: {  	s18 =	sadd.s32 s9, s28;
	s9 =	rddreg [dreg:$0x1];
	s14 =	sadd.s32 $0x5000, s5  }
0x16: {  	s31 =	smul.u32 $0x6400, s17;
	s17 =	sadd.s32 $0x3FA00, s5;
	[dreg:$0x7] =	wrdreg s12  }
0x17: {  	s15 =	sadd.s32 s6, s13;
	s12 =	sshrl.u32 s16, $0x3;
	s29 =	sshrl.u32 s18, $0x3  }
0x18: {  	s13 =	sadd.s32 $0xC8600, s5;
	s16 =	sadd.s32 $0x49800, s5;
	s18 =	sadd.s32 $0x2CE000, s5  }
0x19: {  	s0 =	sadd.s32 s0, s9;
	s2 =	sadd.s32 s2, s9;
	s3 =	sadd.s32 s3, s9  }
0x1a: {  	s4 =	sadd.s32 s4, s9;
	[dreg:$0x8] =	wrdreg s15;
	s12 =	sadd.s32 s6, s12  }
0x1b: {  	s6 =	sadd.s32 s6, s29;
	s15 =	sadd.s32 $0xF9400, s5;
	s11 =	sshrl.u32 s31, $0x2  }
0x1c: {  	s5 =	sshrl.u32 s10, $0x2;
	s29 =	sshrl.u32 s19, $0x2;
	s31 =	smul.u32 $0x6400, s23  }
0x1d: {  	s19 =	sshrl.u32 s21, $0x2;
	s23 =	sadd.s32 s24, s9;
	s24 =	sadd.s32 s25, s9  }
0x1e: {  	s25 =	sadd.s32 s26, s9;
	s0 =	sshrl.u32 s0, $0x3;
	[dreg:$0x9] =	wrdreg s12  }
0x1f: {  	s26 =	sshrl.u32 s2, $0x3;
	s10 =	simm.s32 $0xC3A0;
	[dreg:$0xa] =	wrdreg s6  }
0x20: {  	s12 =	smul.u32 $0x2710, s8;
	s6 =	sshrl.u32 s30, $0x2;
	s5 =	sadd.s32 s5, s9  }
0x21: {  	s30 =	smul.u32 $0x6400, s22;
	_ =	strace $0x80000047;
	[dreg:$0xb] =	wrdreg s7  }
0x22: {  	s8 =	sadd.s32 s28, s9;
	s28 =	sshrl.u32 s3, $0x3;
	[dreg:$0xe] =	wrdreg s5  }
0x23: {  	s3 =	sshrl.u32 s25, $0x3;
	s25 =	simm.s32 $0x0;
	[dreg:$0x14] =	wrdreg s0  }
0x24: {  	s7 =	sadd.s32 s11, s9;
	s6 =	sadd.s32 s6, s9;
	[dreg:$0x15] =	wrdreg s26  }
0x25: {  	s5 =	sadd.s32 s29, s9;
	s21 =	sshrl.u32 s31, $0x2;
	[dreg:$0x16] =	wrdreg s28  }
0x26: {  	s29 =	sshrl.u32 s4, $0x3;
	s31 =	sshrl.u32 s24, $0x3;
	[dreg:$0xc] =	wrdreg s7  }
0x27: {  	s4 =	sshrl.u32 @!p0 s8, $0x3;
	s24 =	simm.s32 $0x159F0;
	[dreg:$0xd] =	wrdreg s6  }
0x28: {  	s7 =	sshrl.u32 s20, $0x2;
	[dreg:$0xf] =	wrdreg s5;
	s5 =	sadd.s32 s19, s9  }
0x29: {  	s20 =	sshrl.u32 s30, $0x2;
	s22 =	sadd.s32 s21, s9;
	[dreg:$0x17] =	wrdreg s29  }
0x2a: {  	s30 =	sshrl.u32 s23, $0x3;
	[dreg:$0x19] =	wrdreg s31;
	s6 =	simm.s32 $0x2  }
0x2b: {  	s19 =	simm.s32 $0xC3F0;
	s21 =	simm.s32 $0x131F0;
	[dreg:$0x11] =	wrdreg s5  }
0x2c: {  	s23 =	simm.s32 $0x140F0;
	s11 =	sadd.s32 s7, s9;
	[dreg:$0x13] =	wrdreg s22  }
0x2d: {  	s5 =	sadd.s32 s20, s9;
	[dreg:$0x18] =	wrdreg s30;
	s7 =	simm.s32 $0xC350  }
0x2e: {  	s20 =	simm.s32 $0xF5F0;
	s22 =	simm.s32 $0x1;
	[dreg:$0x10] =	wrdreg s11  }
0x2f: {  	v0 =	vimm.f32 $0.0e+00;
	vm0 =	vcmask $0x3F08;
	vm1 =	vmmov $0x1;
	[dreg:$0x12] =	wrdreg s5;
	s5 =	simm.s32 $0x163F0;
	s11 =	simm.s32 $0x50  }
.LBB2_1:
0x30: {  	s2 =	simm.s32 $0x140;
	s0 =	simm.s32 $0x0  }
.LBB2_2:
0x31: {  	p1 =	sne.s32 s2, $0x62C0;
	[tilespmem:s0+$0x16430] =	vst v0;
	s8 =	smov.u32 s2;
	s2 =	sadd.s32 $0x140, s2  }
.Ltmp0:
0x32: {  	[tilespmem:s0+$0x16420] =	vst v0;
	(pc) =	sbr.rel @p1 .LBB2_2-.Ltmp0, $4  }
0x33: {  	[tilespmem:s0+$0x16410] =	vst v0  }
0x34: {  	[tilespmem:s0+$0x163F0] =	vst v0  }
0x35: {  	[tilespmem:s0+$0x16400] =	vst v0  }
0x36: {  	s0 =	sshra.s32 s8, $0x2  }
0x37: {  	[tilespmem:s0+$0x16430] =	vst v0  }
0x38: {  	[tilespmem:s0+$0x16420] =	vst v0  }
0x39: {  	[tilespmem:s0+$0x16410] =	vst v0  }
0x3a: {  	[tilespmem:s0+$0x163F0] =	vst v0  }
0x3b: {  	[tilespmem:s0+$0x16400] =	vst v0;
	s2 =	rddreg [dreg:$0xc]  }
0x3c: {  	[spmem:s2] =	stream.linear.scatter [tilespmem:s5], [sflag:$0x2], $0x1900, $0x38;
	[tilespmem:$0x17CF0] =	vst v63  }
0x3d: {  	_ =	swait.ge [sflag:s6], $0x1900  }
0x3e: {  	[sflag:s6] =	ssyncset.done $0x0  }
0x3f: {  	s8 =	rddreg [dreg:$0xd];
	[sflag:s6] =	ssyncadd.s32 $0xFFFFE700  }
0x40: {  	[spmem:s8] =	stream.linear.scatter [tilespmem:s5], [sflag:$0x2], $0x1900, $0x38;
	[tilespmem:$0x17CF0] =	vst v63  }
0x41: {  	_ =	swait.ge [sflag:s6], $0x1900  }
0x42: {  	[sflag:s6] =	ssyncset.done $0x0  }
0x43: {  	s26 =	rddreg [dreg:$0xe];
	[sflag:s6] =	ssyncadd.s32 $0xFFFFE700  }
0x44: {  	[spmem:s26] =	stream.linear.scatter [tilespmem:s5], [sflag:$0x2], $0x1900, $0x38;
	[tilespmem:$0x17CF0] =	vst v63  }
0x45: {  	_ =	swait.ge [sflag:s6], $0x1900  }
0x46: {  	[sflag:s6] =	ssyncset.done $0x0  }
0x47: {  	s28 =	rddreg [dreg:$0xf];
	[sflag:s6] =	ssyncadd.s32 $0xFFFFE700  }
0x48: {  	[spmem:s28] =	stream.linear.scatter [tilespmem:s5], [sflag:$0x2], $0x1900, $0x38;
	[tilespmem:$0x17CF0] =	vst v63  }
0x49: {  	_ =	swait.ge [sflag:s6], $0x1900  }
0x4a: {  	[sflag:s6] =	ssyncset.done $0x0  }
0x4b: {  	s29 =	rddreg [dreg:$0x10];
	[sflag:s6] =	ssyncadd.s32 $0xFFFFE700  }
0x4c: {  	[spmem:s29] =	stream.linear.scatter [tilespmem:s5], [sflag:$0x2], $0x1900, $0x38;
	[tilespmem:$0x17CF0] =	vst v63  }
0x4d: {  	_ =	swait.ge [sflag:s6], $0x1900  }
0x4e: {  	[sflag:s6] =	ssyncset.done $0x0  }
0x4f: {  	s30 =	rddreg [dreg:$0x11];
	[sflag:s6] =	ssyncadd.s32 $0xFFFFE700  }
0x50: {  	[spmem:s30] =	stream.linear.scatter [tilespmem:s5], [sflag:$0x2], $0x1900, $0x38;
	[tilespmem:$0x17CF0] =	vst v63  }
0x51: {  	_ =	swait.ge [sflag:s6], $0x1900  }
0x52: {  	[sflag:s6] =	ssyncset.done $0x0  }
0x53: {  	s31 =	rddreg [dreg:$0x12];
	[sflag:s6] =	ssyncadd.s32 $0xFFFFE700  }
0x54: {  	[spmem:s31] =	stream.linear.scatter [tilespmem:s5], [sflag:$0x2], $0x1900, $0x38;
	[tilespmem:$0x17CF0] =	vst v63  }
0x55: {  	_ =	swait.ge [sflag:s6], $0x1900  }
0x56: {  	[sflag:s6] =	ssyncset.done $0x0  }
0x57: {  	s0 =	simm.s32 @!p0 $0x163F0;
	s2 =	rddreg [dreg:$0x13];
	[sflag:s6] =	ssyncadd.s32 $0xFFFFE700  }
0x58: {  	[spmem:s2] =	stream.linear.scatter @!p0 [tilespmem:s0], [sflag:$0x2], $0x1900, $0x38;
	[tilespmem:$0x17CF0] =	vst v63  }
0x59: {  	s0 =	simm.s32 @!p0 $0x2  }
0x5a: {  	_ =	swait.ge @!p0 [sflag:s0], $0x1900  }
0x5b: {  	[sflag:s0] =	ssyncset.done @!p0 $0x0  }
0x5c: {  	[sflag:s0] =	ssyncadd.s32 @!p0 $0xFFFFE700  }
0x5d: {  	s26 =	simm.s32 $0x0;
	[bflag:$0x0] =	sbarrier.arrive $0xFFFF  }
.LBB2_4:
0x5e: {  	s0 =	smul.u32 $0x50, s26;
	_ =	sdelay $0x1  }
0x5f: {  	s28 =	sadd.s32 s12, s0  }
0x60: {  	s0 =	sshrl.u32 s28, $0x3  }
0x61: {  	s2 =	sadd.s32 s16, s0  }
0x62: {  	[tilespmem:s7], [sflag:$0x2] =	stream.linear.gather [hbm4b:s2+s1], $0x50, $0x38;
	[tilespmem:$0x17CF0] =	vst v63  }
0x63: {  	_ =	swait.ge [sflag:s6], $0x50  }
0x64: {  	[sflag:s6] =	ssyncset.done $0x0  }
0x65: {  	s0 =	sadd.s32 s17, s0;
	[sflag:s6] =	ssyncadd.s32 $0xFFFFFFB0  }
0x66: {  	[tilespmem:s10], [sflag:$0x2] =	stream.linear.gather [hbm4b:s0+s1], $0x50, $0x38;
	[tilespmem:$0x17CF0] =	vst v63  }
0x67: {  	_ =	swait.ge [sflag:s6], $0x50  }
0x68: {  	[sflag:s6] =	ssyncset.done $0x0  }
0x69: {  	[sflag:s6] =	ssyncadd.s32 $0xFFFFFFB0  }
0x6a: {  	[tilespmem:s19], [sflag:$0x1] =	stream.indirect.gather [hbm4b:s13+s11], $0xA0, s7, s11, $0xb8;
	[tilespmem:$0x17CF0] =	vst v63  }
0x6b: {  	s8 =	smul.u32 $0x6, s28  }
0x6c: {  	[tilespmem:s20], [sflag:$0x1] =	stream.indirect.gather [hbm4b:s14+s11], $0xC0, s10, s11, $0xb8;
	[tilespmem:$0x17CF0] =	vst v63  }
0x6d: {  	s0 =	sadd.s32 s15, s8  }
0x6e: {  	[tilespmem:s21], [sflag:$0x1] =	stream.linear.gather [hbm4b:s0+s1], $0xF00, $0x38;
	[tilespmem:$0x17CF0] =	vst v63  }
0x6f: {  	_ =	swait.ge [sflag:s22], $0x3200  }
0x70: {  	[sflag:s22] =	ssyncset.done $0x0  }
0x71: {  	[sflag:s22] =	ssyncadd.s32 $0xFFFFCE00  }
0x72: {  	_ =	swait.ge [sflag:s22], $0x3C00  }
0x73: {  	[sflag:s22] =	ssyncset.done $0x0  }
0x74: {  	[sflag:s22] =	ssyncadd.s32 $0xFFFFC400  }
0x75: {  	_ =	swait.ge [sflag:s22], $0xF00  }
0x76: {  	[sflag:s22] =	ssyncset.done $0x0  }
0x77: {  	s2 =	simm.s32 $0xF770;
	[sflag:s22] =	ssyncadd.s32 $0xFFFFF100  }
0x78: {  	s29 =	simm.s32 $0xC530;
	v4 =	vld [tilespmem:s2+$0xF0]  }
0x79: {  	v5 =	vld [tilespmem:s29+$0xD0]  }
0x7a: {  	v6 =	vld [tilespmem:s2+$0xE0]  }
0x7b: {  	v9 =	vld [tilespmem:s29+$0xC0]  }
0x7c: {  	v10 =	vld [tilespmem:s2+$0xD0]  }
0x7d: {  	s30 =	simm.s32 $0x13250;
	v11 =	vld [tilespmem:s29+$0xB0]  }
0x7e: {  	v1 =	vld [tilespmem:s30+$0x30]  }
0x7f: {  	v8 =	vld [tilespmem:s30+$0x40]  }
0x80: {  	v12 =	vld [tilespmem:s29+$0x120]  }
0x81: {  	v13 =	vld [tilespmem:s29+$0x130]  }
0x82: {  	v14 =	vld [tilespmem:s2+$0xC0]  }
0x83: {  	v7 =	vld [tilespmem:s30+$0x50]  }
0x84: {  	v15 =	vld [tilespmem:s2+$0x140]  }
0x85: {  	v16 =	vld [tilespmem:s2+$0x150]  }
0x86: {  	v17 =	vld [tilespmem:s29+$0xA0]  }
0x87: {  	v18 =	vld [tilespmem:s2+$0x160]  }
0x88: {  	v19 =	vld [tilespmem:s2+$0x170]  }
0x89: {  	v20 =	vld [tilespmem:s2+$0x100]  }
0x8a: {  	v21 =	vld [tilespmem:s29+$0xE0]  }
0x8b: {  	v22 =	vld [tilespmem:s2+$0x110]  }
0x8c: {  	v23 =	vld [tilespmem:s29+$0xF0]  }
0x8d: {  	v24 =	vld [tilespmem:s2+$0x120]  }
0x8e: {  	v25 =	vld [tilespmem:s29+$0x100]  }
0x8f: {  	v26 =	vld [tilespmem:s2+$0x130]  }
0x90: {  	v27 =	vld [tilespmem:s29+$0x110]  }
0x91: {  	v28 =	vld [tilespmem:s30+$0xFFFFFFB0]  }
0x92: {  	v29 =	vld [tilespmem:s29+$0xFFFFFF40]  }
0x93: {  	v30 =	vld [tilespmem:s29+$0xFFFFFF50]  }
0x94: {  	v31 =	vld [tilespmem:s30+$0xFFFFFFD0]  }
0x95: {  	v32 =	vld [tilespmem:s30+$0xFFFFFFE0]  }
0x96: {  	v33 =	vld [tilespmem:s29+$0xFFFFFFE0]  }
0x97: {  	v34 =	vld [tilespmem:s29+$0xFFFFFFF0]  }
0x98: {  	v35 =	vld [tilespmem:s30+$0x0]  }
0x99: {  	v36 =	vld [tilespmem:s30+$0x10]  }
0x9a: {  	v37 =	vld [tilespmem:s29+$0x80]  }
0x9b: {  	v38 =	vld [tilespmem:s29+$0x90]  }
0x9c: {  	v39 =	vld [tilespmem:s30+$0xFFFFFFA0]  }
0x9d: {  	v3 =	vld [tilespmem:s30+$0xFFFFFFC0]  }
0x9e: {  	v40 =	vld [tilespmem:s2+$0xFFFFFF00]  }
0x9f: {  	v41 =	vld [tilespmem:s2+$0xFFFFFF10]  }
0xa0: {  	v42 =	vld [tilespmem:s2+$0xFFFFFF20]  }
0xa1: {  	v43 =	vld [tilespmem:s2+$0xFFFFFF30]  }
0xa2: {  	v2 =	vld [tilespmem:s30+$0xFFFFFFF0]  }
0xa3: {  	v44 =	vld [tilespmem:s2+$0xFFFFFFC0]  }
0xa4: {  	v45 =	vld [tilespmem:s2+$0xFFFFFFD0]  }
0xa5: {  	v46 =	vld [tilespmem:s2+$0xFFFFFFE0]  }
0xa6: {  	v47 =	vld [tilespmem:s2+$0x90]  }
0xa7: {  	v48 =	vld [tilespmem:s2+$0xA0];
	v12 =	vmul.f32 v12, v1;
	v8 =	vmul.f32 v13, v8  }
0xa8: {  	v49 =	vld [tilespmem:s2+$0xB0]  }
0xa9: {  	v50 =	vld [tilespmem:s29+$0xFFFFFF70];
	v8 =	vadd.f32 v8, v12  }
0xaa: {  	v51 =	vld [tilespmem:s2+$0xFFFFFF90]  }
0xab: {  	v13 =	vld [tilespmem:s2+$0xFFFFFFF0];
	v16 =	vmul.f32 v16, v7;
	v15 =	vmul.f32 v8, v15  }
0xac: {  	v1 =	vld [tilespmem:s30+$0x20];
	v19 =	vmul.f32 v19, v7;
	v18 =	vmul.f32 v18, v8  }
0xad: {  	v14 =	vmul.f32 v17, v14;
	v10 =	vmul.f32 v11, v10;
	v11 =	vld [tilespmem:s2+$0xFFFFFEC0];
	v15 =	vadd.f32 v16, v15  }
0xae: {  	v6 =	vmul.f32 v9, v6;
	v9 =	vld [tilespmem:s2+$0xFFFFFF40];
	v17 =	vadd.f32 v19, v18;
	v18 =	vmul.f32 v21, v20  }
0xaf: {  	v59 =	vmul.f32 v33, v31;
	v31 =	vld [tilespmem:s2+$0x10];
	v14 =	vadd.f32 v14, v15  }
0xb0: {  	v60 =	vmul.f32 v34, v32;
	v34 =	vld [tilespmem:s29+$0x10];
	v15 =	vadd.f32 v18, v17;
	v17 =	vmul.f32 v23, v22  }
0xb1: {  	v61 =	vmul.f32 v37, v35;
	v35 =	vld [tilespmem:s2+$0xFFFFFEA0];
	v10 =	vadd.f32 v10, v14  }
0xb2: {  	v32 =	vld [tilespmem:s29+$0xFFFFFF20];
	v14 =	vadd.f32 v17, v15;
	v15 =	vmul.f32 v25, v24  }
0xb3: {  	v4 =	vmul.f32 v5, v4;
	v56 =	vmul.f32 v43, v3;
	v43 =	vld [tilespmem:s2+$0xFFFFFF60];
	v6 =	vadd.f32 v6, v10  }
0xb4: {  	v12 =	vld [tilespmem:s2+$0x80];
	v5 =	vadd.f32 v15, v14;
	v14 =	vmul.f32 v27, v26  }
0xb5: {  	v16 =	vld [tilespmem:s2+$0xFFFFFE80];
	v4 =	vadd.f32 v4, v6  }
0xb6: {  	v19 =	vld [tilespmem:s29+$0xFFFFFEC0];
	v5 =	vadd.f32 v14, v5  }
0xb7: {  	v20 =	vld [tilespmem:s2+$0x0];
	(xrf2) =	vadd.scan.msk.f32 $0xffff, v4  }
0xb8: {  	v21 =	vld [tilespmem:s2+$0x40];
	(xrf2) =	vadd.scan.msk.f32 $0xffff, v5  }
0xb9: {  	v18 =	vld [tilespmem:s29+$0xFFFFFF00]  }
0xba: {  	v22 =	vld [tilespmem:s29+$0x40]  }
0xbb: {  	v17 =	vld [tilespmem:s29+$0xFFFFFF60]  }
0xbc: {  	v10 =	vld [tilespmem:s2+$0xFFFFFF80]  }
0xbd: {  	v15 =	vld [tilespmem:s29+$0xFFFFFFA0]  }
0xbe: {  	v23 =	vld [tilespmem:s2+$0xFFFFFE90];
	v4 =	vmul.f32 v30, v28  }
0xbf: {  	v55 =	vmul.f32 v41, v3;
	v58 =	vmul.f32 v45, v2;
	v24 =	vld [tilespmem:s29+$0xFFFFFED0]  }
0xc0: {  	v13 =	vmul.f32 v13, v2;
	v25 =	vld [tilespmem:s2+$0xFFFFFED0];
	v5 =	vmul.f32 v29, v39  }
0xc1: {  	v26 =	vld [tilespmem:s29+$0xFFFFFF10];
	v11 =	vmul.f32 v18, v11;
	v9 =	vmul.f32 v17, v9;
	v6, _, _ =	vpop (xrf2)  }
0xc2: {  	v27 =	vld [tilespmem:s2+$0xFFFFFF50];
	v10 =	vmul.f32 v15, v10;
	v62 =	vmul.f32 $1.442695020e+00, v6;
	v6 =	vadd.f32 v4, v5;
	v4, _, _ =	vpop (xrf2)  }
0xc3: {  	v18 =	vld [tilespmem:s29+$0xFFFFFFC0];
	v5 =	vmul.f32 v38, v36;
	v63 =	vmul.f32 $1.442695020e+00, v4  }
0xc4: {  	v14 =	vld [tilespmem:s29+$0x0];
	v4 =	vadd.f32 v60, v59;
	v60 =	vmul.f32 v47, v1;
	v33 =	vbroadcast v62, $0xF  }
0xc5: {  	v17 =	vld [tilespmem:s2+$0x20];
	v52 =	vmul.f32 v6, v40;
	v53 =	vmul.f32 v42, v6  }
0xc6: {  	v28 =	vld [tilespmem:s29+$0xFFFFFFB0];
	v5 =	vadd.f32 v5, v61;
	v62 =	vmul.f32 v49, v1;
	v54 =	vbroadcast v63, $0xF  }
0xc7: {  	v39 =	vld [tilespmem:s29+$0xFFFFFEE0];
	v57 =	vmul.f32 v4, v44;
	v59 =	vmul.f32 v46, v4  }
0xc8: {  	v15 =	vld [tilespmem:s29+$0x20];
	(erf) = vpow2.f32 v33;
	v33 =	vadd.f32 v55, v52;
	v12 =	vmul.f32 v5, v12  }
0xc9: {  	v36 =	vld [tilespmem:s2+$0x50];
	v29 =	vadd.f32 v56, v53;
	v61 =	vmul.f32 v48, v5;
	(erf) = vpow2.f32 v54  }
0xca: {  	v16 =	vmul.f32 v19, v16;
	v38 =	vld [tilespmem:s29+$0x50];
	v30 =	vadd.f32 v58, v57;
	v13 =	vadd.f32 v13, v59  }
0xcb: {  	v14 =	vmul.f32 v14, v20;
	v42 =	vld [tilespmem:s2+$0xFFFFFEE0];
	v12 =	vadd.f32 v60, v12;
	v19 =	vadd.f32 v62, v61  }
0xcc: {  	v20 =	vmul.f32 v22, v21;
	v44 =	vld [tilespmem:s29+$0xFFFFFF80];
	v16 =	vadd.f32 v16, v33;
	v11 =	vadd.f32 v11, v29  }
0xcd: {  	v49 =	vmul.f32 v26, v25;
	v63 =	vld [tilespmem:s2+$0xFFFFFFA0];
	v9 =	vadd.f32 v9, v30;
	v10 =	vadd.f32 v10, v13  }
0xce: {  	v48 =	vld [tilespmem:s2+$0x60];
	v12 =	vadd.f32 v14, v12;
	v14 =	vadd.f32 v20, v19;
	v19 =	vmul.f32 v50, v27  }
0xcf: {  	v52 =	vld [tilespmem:s29+$0x60];
	v13 =	vmul.f32 v24, v23;
	v22 =	vadd.f32 v49, v11;
	v11 =	vmul.f32 v28, v51  }
0xd0: {  	v53 =	vld [tilespmem:s29+$0xFFFFFEF0];
	v9 =	vadd.f32 v19, v9;
	v19 =	vmul.f32 v34, v31  }
0xd1: {  	v20 =	vld [tilespmem:s2+$0xFFFFFEB0];
	v13 =	vadd.f32 v13, v16;
	v10 =	vadd.f32 v11, v10;
	v11 =	vmul.f32 v38, v36;
	v16 =	vpop (erf)  }
0xd2: {  	v55 =	vld [tilespmem:s2+$0xFFFFFEF0];
	v19 =	vadd.f32 v19, v12;
	v12 =	vmul.f32 v39, v35;
	v54 =	vmul.f32 v16, v8;
	v57 =	vpop (erf)  }
0xd3: {  	s31 =	simm.s32 $0x14190;
	v58 =	vld [tilespmem:s29+$0xFFFFFF30];
	v60 =	vadd.f32 v11, v14;
	v14 =	vmul.f32 v32, v42;
	v8 =	vmul.f32 v57, v8  }
0xd4: {  	v59 =	vld [tilespmem:s2+$0xFFFFFF70];
	v56 =	vmul.f32 v16, v7;
	v7 =	vmul.f32 v57, v7;
	[tilespmem:s31+$0x50] =	vst v54  }
0xd5: {  	v61 =	vld [tilespmem:s29+$0xFFFFFF90];
	v62 =	vmul.f32 v44, v43;
	[tilespmem:s31+$0x70] =	vst v8;
	v8 =	vadd.f32 v12, v13;
	v12 =	vsel vm0, $0x0, v57  }
0xd6: {  	v11 =	vld [tilespmem:s2+$0xFFFFFFB0];
	v22 =	vadd.f32 v14, v22;
	v14 =	vmul.f32 v53, v20;
	[tilespmem:s31+$0x80] =	vst v7;
	v7 =	vsel vm1, v16, v12  }
0xd7: {  	v17 =	vmul.f32 v15, v17;
	v13 =	vld [tilespmem:s29+$0xFFFFFFD0];
	[tilespmem:s31+$0x90] =	vst v7;
	v7 =	vadd.f32 v62, v9  }
0xd8: {  	s8 =	simm.s32 $0x15A30;
	v15 =	vld [tilespmem:s29+$0x30];
	[tilespmem:s31+$0x60] =	vst v56;
	v9 =	vmul.f32 v18, v63;
	v18 =	vmul.f32 v52, v48;
	v20 =	vadd.f32 v14, v8  }
0xd9: {  	v12 =	vld [tilespmem:s2+$0x30];
	v63 =	vmul.f32 v58, v55;
	[tilespmem:s8+$0x30] =	vst v57  }
0xda: {  	v14 =	vld [tilespmem:s2+$0x70];
	v10 =	vadd.f32 v9, v10;
	v8 =	vadd.f32 v18, v60;
	v18 =	vmul.f32 v61, v59;
	(xrf2) =	vadd.scan.msk.f32 $0xffff, v20  }
0xdb: {  	s0 =	simm.s32 $0x0;
	s2 =	simm.s32 $0xFA70;
	[tilespmem:s8+$0x20] =	vst v16;
	v16 =	vld [tilespmem:s29+$0x70];
	v9 =	vadd.f32 v17, v19;
	v17 =	vadd.f32 v63, v22  }
.LBB2_5:
0xdc: {  	v19 =	vld [tilespmem:s2+$0xF0];
	v7 =	vadd.f32 v18, v7;
	v11 =	vmul.f32 v13, v11;
	s29 =	sadd.s32 $0x280, s29  }
0xdd: {  	v13 =	vld [tilespmem:s29+$0xD0];
	(xrf2) =	vadd.scan.msk.f32 $0xffff, v17  }
0xde: {  	v17 =	vld [tilespmem:s2+$0xE0];
	v10 =	vadd.f32 v11, v10;
	v11 =	vmul.f32 v15, v12  }
0xdf: {  	v12 =	vld [tilespmem:s29+$0xC0]  }
0xe0: {  	v15 =	vld [tilespmem:s2+$0xD0];
	v9 =	vadd.f32 v11, v9;
	v11 =	vmul.f32 v16, v14;
	(xrf2) =	vadd.scan.msk.f32 $0xffff, v7  }
0xe1: {  	s30 =	sadd.s32 $0xC0, s30;
	v14 =	vld [tilespmem:s29+$0xB0]  }
0xe2: {  	v16 =	vld [tilespmem:s30+$0x30];
	v8 =	vadd.f32 v11, v8  }
0xe3: {  	v11 =	vld [tilespmem:s30+$0x40];
	(xrf2) =	vadd.scan.msk.f32 $0xffff, v10  }
0xe4: {  	v10 =	vld [tilespmem:s29+$0x120];
	v7, _, _ =	vpop (xrf2)  }
0xe5: {  	v18 =	vld [tilespmem:s29+$0x130];
	v22 =	vmul.f32 $1.442695020e+00, v7  }
0xe6: {  	v21 =	vld [tilespmem:s2+$0xC0];
	(xrf2) =	vadd.scan.msk.f32 $0xffff, v9  }
0xe7: {  	v7 =	vld [tilespmem:s30+$0x50];
	v9 =	vbroadcast v22, $0xF;
	v20, _, _ =	vpop (xrf2)  }
0xe8: {  	v22 =	vld [tilespmem:s2+$0x140];
	v20 =	vmul.f32 $1.442695020e+00, v20  }
0xe9: {  	v23 =	vld [tilespmem:s2+$0x150];
	(erf) = vpow2.f32 v9;
	(xrf2) =	vadd.scan.msk.f32 $0xffff, v8  }
0xea: {  	v8 =	vmul.f32 v10, v16;
	v9 =	vmul.f32 v18, v11;
	v10 =	vld [tilespmem:s29+$0xA0];
	v11, _, _ =	vpop (xrf2)  }
0xeb: {  	s0 =	sadd.s32 $0x4, s0;
	v24 =	vbroadcast v20, $0xF;
	v16 =	vld [tilespmem:s2+$0x160];
	v11 =	vmul.f32 $1.442695020e+00, v11  }
0xec: {  	p1 =	slt.u32 s0, $0x4C;
	v8 =	vadd.f32 v9, v8;
	v9 =	vld [tilespmem:s2+$0x170]  }
0xed: {  	v20 =	vld [tilespmem:s2+$0x100];
	v11 =	vbroadcast v11, $0xF;
	(erf) = vpow2.f32 v24;
	v18, _, _ =	vpop (xrf2)  }
0xee: {  	v26 =	vmul.f32 v8, v22;
	v23 =	vmul.f32 v23, v7;
	v24 =	vld [tilespmem:s29+$0xE0]  }
0xef: {  	v18 =	vmul.f32 $1.442695020e+00, v18;
	v25 =	vld [tilespmem:s2+$0x110];
	(erf) = vpow2.f32 v11  }
0xf0: {  	v10 =	vmul.f32 v10, v21;
	v11 =	vadd.f32 v23, v26;
	v21 =	vld [tilespmem:s29+$0xF0];
	v22, _, _ =	vpop (xrf2)  }
0xf1: {  	v16 =	vmul.f32 v16, v8;
	v9 =	vmul.f32 v9, v7;
	v23 =	vld [tilespmem:s2+$0x120]  }
0xf2: {  	v10 =	vadd.f32 v10, v11;
	v11 =	vmul.f32 v14, v15;
	v14 =	vld [tilespmem:s29+$0x100];
	v15 =	vmul.f32 $1.442695020e+00, v22;
	v22 =	vpop (erf)  }
0xf3: {  	v18 =	vbroadcast v18, $0xF;
	v9 =	vadd.f32 v9, v16;
	v16 =	vmul.f32 v24, v20;
	v20 =	vld [tilespmem:s2+$0x130];
	v24, _, _ =	vpop (xrf2)  }
0xf4: {  	v10 =	vadd.f32 v11, v10;
	v11 =	vmul.f32 v12, v17;
	v12 =	vld [tilespmem:s29+$0x110];
	v26 =	vmul.f32 $1.442695020e+00, v24  }
0xf5: {  	v15 =	vbroadcast v15, $0xF;
	v24 =	vld [tilespmem:s30+$0xFFFFFFB0];
	v9 =	vadd.f32 v16, v9;
	v16 =	vmul.f32 v21, v25  }
0xf6: {  	v21 =	vld [tilespmem:s29+$0xFFFFFF40];
	v10 =	vadd.f32 v11, v10;
	v11 =	vmul.f32 v13, v19;
	v13 =	vbroadcast v26, $0xF;
	v17 =	vpop (erf)  }
0xf7: {  	v19 =	vld [tilespmem:s29+$0xFFFFFF50];
	v9 =	vadd.f32 v16, v9;
	v14 =	vmul.f32 v14, v23;
	(erf) = vpow2.f32 v18  }
0xf8: {  	v16 =	vld [tilespmem:s30+$0xFFFFFFD0];
	v10 =	vadd.f32 v11, v10;
	v11 =	vmul.f32 v22, v6;
	v18 =	vpop (erf);
	(erf) = vpow2.f32 v15  }
0xf9: {  	v15 =	vld [tilespmem:s30+$0xFFFFFFE0];
	v9 =	vadd.f32 v14, v9;
	v12 =	vmul.f32 v12, v20;
	(erf) = vpow2.f32 v13  }
0xfa: {  	v6 =	vmul.f32 v17, v6;
	v14 =	vsel vm0, $0x0, v17;
	v13 =	vld [tilespmem:s29+$0xFFFFFFE0];
	(xrf2) =	vadd.scan.msk.f32 $0xffff, v10;
	v10 =	vmul.f32 v22, v3  }
0xfb: {  	v3 =	vmul.f32 v17, v3;
	v20 =	vld [tilespmem:s29+$0xFFFFFFF0];
	v9 =	vadd.f32 v12, v9;
	[tilespmem:s31+$0xFFFFFF60] =	vst v11;
	v11 =	vmul.f32 v18, v4  }
0xfc: {  	v12 =	vmul.f32 v19, v24;
	v19 =	vld [tilespmem:s30+$0x0];
	[tilespmem:s31+$0xFFFFFF70] =	vst v10;
	v10 =	vsel vm1, v22, v14;
	v14 =	vmul.f32 v18, v2  }
0xfd: {  	v23 =	vld [tilespmem:s30+$0x10];
	(xrf2) =	vadd.scan.msk.f32 $0xffff, v9;
	[tilespmem:s31+$0xFFFFFF80] =	vst v6  }
0xfe: {  	v6 =	vld [tilespmem:s29+$0x80];
	[tilespmem:s31+$0xFFFFFF90] =	vst v3  }
0xff: {  	v9 =	vmul.f32 v13, v16;
	v13 =	vld [tilespmem:s29+$0x90];
	[tilespmem:s31+$0xFFFFFFA0] =	vst v10  }
0x100: {  	v10 =	vld [tilespmem:s30+$0xFFFFFFA0];
	v25 =	vmul.f32 v20, v15;
	[tilespmem:s8+$0xFFFFFFC0] =	vst v22;
	v16 =	vpop (erf)  }
0x101: {  	v3 =	vld [tilespmem:s30+$0xFFFFFFC0];
	[tilespmem:s8+$0xFFFFFFD0] =	vst v17;
	v17 =	vmul.f32 v16, v4;
	v2 =	vmul.f32 v16, v2;
	v20 =	vsel vm0, $0x0, v16;
	v22 =	vpop (erf)  }
0x102: {  	v24 =	vld [tilespmem:s2+$0xFFFFFF00];
	v4 =	vadd.f32 v25, v9;
	[tilespmem:s31+$0xFFFFFFB0] =	vst v11;
	v9 =	vmul.f32 v22, v5;
	v11 =	vmul.f32 v22, v1;
	v15 =	vpop (erf)  }
0x103: {  	v25 =	vld [tilespmem:s2+$0xFFFFFF10];
	v6 =	vmul.f32 v6, v19;
	[tilespmem:s31+$0xFFFFFFC0] =	vst v14;
	v14 =	vmul.f32 v15, v5;
	v5 =	vsel vm0, $0x0, v15  }
0x104: {  	v19 =	vld [tilespmem:s2+$0xFFFFFF20];
	v13 =	vmul.f32 v13, v23;
	v23, _, _ =	vpop (xrf2);
	[tilespmem:s31+$0xFFFFFFD0] =	vst v17;
	v17 =	vsel vm1, v18, v20;
	v20 =	vmul.f32 v15, v1  }
0x105: {  	v26 =	vmul.f32 v21, v10;
	v10 =	vld [tilespmem:s2+$0xFFFFFF30];
	[tilespmem:s31+$0xFFFFFFE0] =	vst v2;
	v21 =	vsel vm1, v22, v5  }
0x106: {  	v2 =	vld [tilespmem:s30+$0xFFFFFFF0];
	v5 =	vadd.f32 v13, v6;
	v13 =	vmul.f32 $1.442695020e+00, v23;
	[tilespmem:s31+$0xFFFFFFF0] =	vst v17  }
0x107: {  	v6 =	vadd.f32 v12, v26;
	v12 =	vld [tilespmem:s2+$0xFFFFFFC0];
	v1, _, _ =	vpop (xrf2);
	[tilespmem:s8+$0xFFFFFFE0] =	vst v18  }
0x108: {  	v17 =	vld [tilespmem:s2+$0xFFFFFFD0];
	v13 =	vbroadcast v13, $0xF;
	v1 =	vmul.f32 $1.442695020e+00, v1;
	[tilespmem:s8+$0xFFFFFFF0] =	vst v16  }
0x109: {  	v16 =	vmul.f32 v6, v24;
	v18 =	vmul.f32 v19, v6;
	v19 =	vld [tilespmem:s2+$0xFFFFFFE0];
	[tilespmem:s31+$0x0] =	vst v9  }
0x10a: {  	v9 =	vld [tilespmem:s2+$0xFFFFFFF0];
	v23 =	vbroadcast v1, $0xF;
	(erf) = vpow2.f32 v13;
	[tilespmem:s31+$0x10] =	vst v11  }
0x10b: {  	v11 =	vmul.f32 v25, v3;
	v10 =	vmul.f32 v10, v3;
	v1 =	vld [tilespmem:s30+$0x20];
	[tilespmem:s31+$0x20] =	vst v14  }
0x10c: {  	v12 =	vmul.f32 v4, v12;
	v13 =	vld [tilespmem:s2+$0x80];
	(erf) = vpow2.f32 v23;
	[tilespmem:s31+$0x30] =	vst v20  }
0x10d: {  	v11 =	vadd.f32 v11, v16;
	v10 =	vadd.f32 v10, v18;
	v14 =	vmul.f32 v17, v2;
	v16 =	vld [tilespmem:s2+$0x90];
	[tilespmem:s31+$0x40] =	vst v21  }
0x10e: {  	v17 =	vmul.f32 v19, v4;
	v18 =	vld [tilespmem:s2+$0xA0];
	[tilespmem:s8+$0x0] =	vst v22  }
0x10f: {  	v12 =	vadd.f32 v14, v12;
	v9 =	vmul.f32 v9, v2;
	v14 =	vld [tilespmem:s2+$0xB0];
	[tilespmem:s8+$0x10] =	vst v15  }
0x110: {  	v15 =	vld [tilespmem:s2+$0xFFFFFE80]  }
0x111: {  	v19 =	vld [tilespmem:s29+$0xFFFFFEC0];
	v9 =	vadd.f32 v9, v17;
	v13 =	vmul.f32 v5, v13  }
0x112: {  	v17 =	vld [tilespmem:s2+$0xFFFFFEC0];
	v16 =	vmul.f32 v16, v1  }
0x113: {  	v20 =	vld [tilespmem:s29+$0xFFFFFF00];
	v18 =	vmul.f32 v18, v5;
	v21 =	vpop (erf)  }
0x114: {  	v22 =	vld [tilespmem:s2+$0xFFFFFF40];
	v13 =	vadd.f32 v16, v13;
	v14 =	vmul.f32 v14, v1;
	v16 =	vmul.f32 v21, v8  }
0x115: {  	s31 =	sadd.s32 $0x140, s31;
	v24 =	vmul.f32 v21, v7;
	v23 =	vld [tilespmem:s29+$0xFFFFFF60];
	v25 =	vpop (erf)  }
0x116: {  	v15 =	vmul.f32 v19, v15;
	v19 =	vld [tilespmem:s2+$0xFFFFFF80];
	v14 =	vadd.f32 v14, v18;
	[tilespmem:s31+$0x50] =	vst v16;
	v8 =	vmul.f32 v25, v8  }
0x117: {  	v7 =	vmul.f32 v25, v7;
	v16 =	vld [tilespmem:s29+$0xFFFFFFA0];
	[tilespmem:s31+$0x60] =	vst v24  }
0x118: {  	v11 =	vadd.f32 v15, v11;
	v15 =	vmul.f32 v20, v17;
	v17 =	vld [tilespmem:s2+$0x0];
	[tilespmem:s31+$0x70] =	vst v8;
	v8 =	vsel vm0, $0x0, v25  }
0x119: {  	v18 =	vld [tilespmem:s29+$0x0];
	[tilespmem:s31+$0x80] =	vst v7;
	v7 =	vsel vm1, v21, v8  }
0x11a: {  	s8 =	sadd.s32 $0x80, s8;
	v8 =	vadd.f32 v15, v10;
	v10 =	vmul.f32 v23, v22;
	v15 =	vld [tilespmem:s2+$0x40];
	[tilespmem:s31+$0x90] =	vst v7  }
0x11b: {  	v7 =	vld [tilespmem:s29+$0x40];
	[tilespmem:s8+$0x30] =	vst v25  }
0x11c: {  	v20 =	vld [tilespmem:s2+$0xFFFFFE90];
	v10 =	vadd.f32 v10, v12;
	v12 =	vmul.f32 v16, v19;
	[tilespmem:s8+$0x20] =	vst v21  }
0x11d: {  	v16 =	vld [tilespmem:s29+$0xFFFFFED0]  }
0x11e: {  	v19 =	vld [tilespmem:s2+$0xFFFFFED0];
	v9 =	vadd.f32 v12, v9;
	v12 =	vmul.f32 v18, v17  }
0x11f: {  	v17 =	vld [tilespmem:s29+$0xFFFFFF10]  }
0x120: {  	v18 =	vld [tilespmem:s2+$0xFFFFFF50];
	v12 =	vadd.f32 v12, v13;
	v7 =	vmul.f32 v7, v15  }
0x121: {  	v13 =	vld [tilespmem:s29+$0xFFFFFF70]  }
0x122: {  	v15 =	vmul.f32 v16, v20;
	v16 =	vld [tilespmem:s2+$0xFFFFFF90];
	v7 =	vadd.f32 v7, v14  }
0x123: {  	v14 =	vld [tilespmem:s29+$0xFFFFFFB0]  }
0x124: {  	v11 =	vadd.f32 v15, v11;
	v15 =	vmul.f32 v17, v19;
	v17 =	vld [tilespmem:s2+$0x10]  }
0x125: {  	v19 =	vld [tilespmem:s29+$0x10]  }
0x126: {  	v8 =	vadd.f32 v15, v8;
	v13 =	vmul.f32 v13, v18;
	v15 =	vld [tilespmem:s2+$0x50]  }
0x127: {  	v18 =	vld [tilespmem:s29+$0x50]  }
0x128: {  	v20 =	vld [tilespmem:s2+$0xFFFFFEA0];
	v10 =	vadd.f32 v13, v10;
	v13 =	vmul.f32 v14, v16  }
0x129: {  	v14 =	vld [tilespmem:s29+$0xFFFFFEE0]  }
0x12a: {  	v16 =	vld [tilespmem:s2+$0xFFFFFEE0];
	v9 =	vadd.f32 v13, v9;
	v13 =	vmul.f32 v19, v17  }
0x12b: {  	v17 =	vld [tilespmem:s29+$0xFFFFFF20]  }
0x12c: {  	v19 =	vld [tilespmem:s2+$0xFFFFFF60];
	v12 =	vadd.f32 v13, v12;
	v13 =	vmul.f32 v18, v15  }
0x12d: {  	v15 =	vld [tilespmem:s29+$0xFFFFFF80]  }
0x12e: {  	v14 =	vmul.f32 v14, v20;
	v18 =	vld [tilespmem:s2+$0xFFFFFFA0];
	v13 =	vadd.f32 v13, v7  }
0x12f: {  	v20 =	vld [tilespmem:s29+$0xFFFFFFC0]  }
0x130: {  	v14 =	vadd.f32 v14, v11;
	v7 =	vmul.f32 v17, v16;
	v11 =	vld [tilespmem:s2+$0x20]  }
0x131: {  	v16 =	vld [tilespmem:s29+$0x20]  }
0x132: {  	v17 =	vadd.f32 v7, v8;
	v7 =	vmul.f32 v15, v19;
	v8 =	vld [tilespmem:s2+$0x60]  }
0x133: {  	v15 =	vld [tilespmem:s29+$0x60]  }
0x134: {  	v19 =	vld [tilespmem:s2+$0xFFFFFEB0];
	v7 =	vadd.f32 v7, v10;
	v10 =	vmul.f32 v20, v18  }
0x135: {  	v18 =	vld [tilespmem:s29+$0xFFFFFEF0]  }
0x136: {  	v20 =	vld [tilespmem:s2+$0xFFFFFEF0];
	v10 =	vadd.f32 v10, v9;
	v9 =	vmul.f32 v16, v11  }
0x137: {  	v16 =	vld [tilespmem:s29+$0xFFFFFF30]  }
0x138: {  	v21 =	vld [tilespmem:s2+$0xFFFFFF70];
	v9 =	vadd.f32 v9, v12;
	v8 =	vmul.f32 v15, v8  }
0x139: {  	v22 =	vld [tilespmem:s29+$0xFFFFFF90]  }
0x13a: {  	v12 =	vmul.f32 v18, v19;
	v11 =	vld [tilespmem:s2+$0xFFFFFFB0];
	v8 =	vadd.f32 v8, v13  }
.Ltmp1:
0x13b: {  	v13 =	vld [tilespmem:s29+$0xFFFFFFD0];
	(pc) =	sbr.rel @p1 .LBB2_5-.Ltmp1, $4  }
0x13c: {  	v19 =	vadd.f32 v12, v14;
	v14 =	vmul.f32 v16, v20;
	v12 =	vld [tilespmem:s2+$0x30]  }
0x13d: {  	v15 =	vld [tilespmem:s29+$0x30]  }
0x13e: {  	v17 =	vadd.f32 v14, v17;
	v18 =	vmul.f32 v22, v21;
	v14 =	vld [tilespmem:s2+$0x70];
	(xrf2) =	vadd.scan.msk.f32 $0xffff, v19  }
0x13f: {  	s2 =	sadd.s32 $0x300, s2;
	v16 =	vld [tilespmem:s29+$0x70]  }
0x140: {  	(xrf2) =	vadd.scan.msk.f32 $0xffff, v17;
	_ =	sdelay $0x2  }
0x141: {  	v7 =	vadd.f32 v18, v7;
	v11 =	vmul.f32 v13, v11;
	_ =	sdelay $0x1  }
0x142: {  	v10 =	vadd.f32 v11, v10;
	(xrf2) =	vadd.scan.msk.f32 $0xffff, v7  }
0x143: {  	v34 =	vmul.f32 v15, v12  }
0x144: {  	(xrf2) =	vadd.scan.msk.f32 $0xffff, v10;
	v36 =	vmul.f32 v16, v14  }
0x145: {  	v7 =	vadd.f32 v34, v9;
	v35, _, _ =	vpop (xrf2)  }
0x146: {  	v8 =	vadd.f32 v36, v8;
	v10 =	vmul.f32 $1.442695020e+00, v35  }
0x147: {  	(xrf2) =	vadd.scan.msk.f32 $0xffff, v7;
	v37, _, _ =	vpop (xrf2)  }
0x148: {  	(xrf2) =	vadd.scan.msk.f32 $0xffff, v8;
	v38 =	vbroadcast v10, $0xF;
	v39 =	vmul.f32 $1.442695020e+00, v37;
	_ =	sdelay $0x1  }
0x149: {  	(erf) = vpow2.f32 v38;
	v40 =	vbroadcast v39, $0xF;
	_ =	sdelay $0x1  }
0x14a: {  	v41, _, _ =	vpop (xrf2);
	(erf) = vpow2.f32 v40  }
0x14b: {  	v42 =	vmul.f32 $1.442695020e+00, v41  }
0x14c: {  	v43, _, _ =	vpop (xrf2)  }
0x14d: {  	v7 =	vbroadcast v42, $0xF;
	v8 =	vmul.f32 $1.442695020e+00, v43;
	_ =	sdelay $0x1  }
0x14e: {  	(erf) = vpow2.f32 v7;
	v44 =	vbroadcast v8, $0xF;
	v45, _, _ =	vpop (xrf2)  }
0x14f: {  	v48, _, _ =	vpop (xrf2)  }
0x150: {  	v47 =	vmul.f32 $1.442695020e+00, v45;
	v46 =	vpop (erf);
	(erf) = vpow2.f32 v44  }
0x151: {  	v8 =	vmul.f32 $1.442695020e+00, v48;
	v49 =	vmul.f32 v46, v6  }
0x152: {  	v7 =	vbroadcast v47, $0xF;
	v51 =	vmul.f32 v46, v3;
	v50 =	vpop (erf)  }
0x153: {  	v52 =	vmul.f32 v50, v6;
	[tilespmem:s31+$0xFFFFFF60] =	vst v49;
	v3 =	vmul.f32 v50, v3  }
0x154: {  	[tilespmem:s31+$0xFFFFFF70] =	vst v51  }
0x155: {  	v8 =	vbroadcast v8, $0xF;
	(erf) = vpow2.f32 v7;
	v53 =	vsel vm0, $0x0, v50;
	[tilespmem:s31+$0xFFFFFF80] =	vst v52  }
0x156: {  	v54 =	vsel vm1, v46, v53;
	[tilespmem:s31+$0xFFFFFF90] =	vst v3  }
0x157: {  	[tilespmem:s31+$0xFFFFFFA0] =	vst v54;
	v3 =	vpop (erf);
	(erf) = vpow2.f32 v8  }
0x158: {  	[tilespmem:s8+$0xFFFFFFC0] =	vst v46;
	v55 =	vmul.f32 v3, v4  }
0x159: {  	[tilespmem:s8+$0xFFFFFFD0] =	vst v50;
	v56 =	vmul.f32 v3, v2;
	v57 =	vpop (erf)  }
0x15a: {  	v58 =	vmul.f32 v57, v4;
	[tilespmem:s31+$0xFFFFFFB0] =	vst v55;
	v2 =	vmul.f32 v57, v2  }
0x15b: {  	[tilespmem:s31+$0xFFFFFFC0] =	vst v56  }
0x15c: {  	v59 =	vsel vm0, $0x0, v57;
	[tilespmem:s31+$0xFFFFFFD0] =	vst v58  }
0x15d: {  	v60 =	vsel vm1, v3, v59;
	[tilespmem:s31+$0xFFFFFFE0] =	vst v2  }
0x15e: {  	[tilespmem:s31+$0xFFFFFFF0] =	vst v60;
	v2 =	vpop (erf)  }
0x15f: {  	[tilespmem:s8+$0xFFFFFFE0] =	vst v3;
	v61 =	vmul.f32 v2, v5  }
0x160: {  	[tilespmem:s8+$0xFFFFFFF0] =	vst v57;
	v3 =	vmul.f32 v2, v1;
	v62 =	vpop (erf)  }
0x161: {  	v63 =	vmul.f32 v62, v5;
	[tilespmem:s31+$0x0] =	vst v61  }
0x162: {  	v1 =	vmul.f32 v62, v1;
	[tilespmem:s31+$0x10] =	vst v3  }
0x163: {  	v3 =	vsel vm0, $0x0, v62;
	[tilespmem:s31+$0x20] =	vst v63  }
0x164: {  	v3 =	vsel vm1, v2, v3;
	[tilespmem:s31+$0x30] =	vst v1  }
0x165: {  	[tilespmem:s31+$0x40] =	vst v3  }
0x166: {  	[tilespmem:s8+$0x0] =	vst v2  }
0x167: {  	[tilespmem:s8+$0x10] =	vst v62  }
0x168: {  	[spmem:s9] =	stream.indirect.scatter.add.f32 [tilespmem:s23], [sflag:$0x2], $0x50, s10, s11, $0xb8;
	[tilespmem:$0x17CF0] =	vst v63  }
0x169: {  	s26 =	sadd.s32 $0x1, s26;
	_ =	swait.ge [sflag:s6], $0x1900  }
0x16a: {  	s0 =	sshll.u32 s28, $0x2;
	p1 =	sne.s32 s26, $0x7D;
	[sflag:s6] =	ssyncset.done $0x0  }
.Ltmp2:
0x16b: {  	s0 =	sadd.s32 s18, s0;
	[sflag:s6] =	ssyncadd.s32 $0xFFFFE700;
	(pc) =	sbr.rel @p1 .LBB2_4-.Ltmp2, $4  }
0x16c: {  	[hbm4b:s0+s1] =	stream.linear.scatter [tilespmem:s24], [sflag:$0x2], $0xA00, $0x38;
	[tilespmem:$0x17CF0] =	vst v63  }
0x16d: {  	_ =	swait.ge [sflag:s6], $0xA00  }
0x16e: {  	[sflag:s6] =	ssyncset.done $0x0  }
0x16f: {  	[sflag:s6] =	ssyncadd.s32 $0xFFFFF600  }
0x170: {  	s0 =	stileid.u32;
	[bflag:$0x0] =	sbarrier.arrive $0xFFFF  }
0x171: {  	s0 =	sshll.u32 s0, $0x6;
	s2 =	rddreg [dreg:$0x3]  }
0x172: {  	s8 =	rddreg [dreg:$0x14];
	s0 =	sor.u32 $0x1C02, s0  }
0x173: {  	[hbm:s2], [sflag:s0] =	dma.local [spmem:s8], $0x320  }
0x174: {  	_ =	swait.ge [sflag:s6], $0x320  }
0x175: {  	[sflag:s6] =	ssyncset.done $0x0;
	s8 =	rddreg [dreg:$0x4]  }
0x176: {  	s26 =	rddreg [dreg:$0x15];
	[sflag:s6] =	ssyncadd.s32 $0xFFFFFCE0  }
0x177: {  	[hbm:s8], [sflag:s0] =	dma.local [spmem:s26], $0x320  }
0x178: {  	_ =	swait.ge [sflag:s6], $0x320  }
0x179: {  	[sflag:s6] =	ssyncset.done $0x0;
	s28 =	rddreg [dreg:$0x5]  }
0x17a: {  	s29 =	rddreg [dreg:$0x16];
	[sflag:s6] =	ssyncadd.s32 $0xFFFFFCE0  }
0x17b: {  	[hbm:s28], [sflag:s0] =	dma.local [spmem:s29], $0x320  }
0x17c: {  	_ =	swait.ge [sflag:s6], $0x320  }
0x17d: {  	[sflag:s6] =	ssyncset.done $0x0;
	s30 =	rddreg [dreg:$0x6]  }
0x17e: {  	s31 =	rddreg [dreg:$0x17];
	[sflag:s6] =	ssyncadd.s32 $0xFFFFFCE0  }
0x17f: {  	[hbm:s30], [sflag:s0] =	dma.local [spmem:s31], $0x320  }
0x180: {  	_ =	swait.ge [sflag:s6], $0x320  }
0x181: {  	[sflag:s6] =	ssyncset.done $0x0;
	s8 =	rddreg [dreg:$0x7]  }
0x182: {  	s26 =	rddreg [dreg:$0x18];
	[sflag:s6] =	ssyncadd.s32 $0xFFFFFCE0  }
0x183: {  	[hbm:s8], [sflag:s0] =	dma.local [spmem:s26], $0x320  }
0x184: {  	_ =	swait.ge [sflag:s6], $0x320  }
0x185: {  	[sflag:s6] =	ssyncset.done $0x0;
	s28 =	rddreg [dreg:$0x8]  }
0x186: {  	s29 =	rddreg [dreg:$0x19];
	[sflag:s6] =	ssyncadd.s32 $0xFFFFFCE0  }
0x187: {  	[hbm:s28], [sflag:s0] =	dma.local [spmem:s29], $0x320  }
0x188: {  	_ =	swait.ge [sflag:s6], $0x320  }
0x189: {  	[sflag:s6] =	ssyncset.done $0x0  }
0x18a: {  	s30 =	rddreg [dreg:$0x9];
	[sflag:s6] =	ssyncadd.s32 $0xFFFFFCE0  }
0x18b: {  	[hbm:s30], [sflag:s0] =	dma.local [spmem:s3], $0x320  }
0x18c: {  	_ =	swait.ge [sflag:s6], $0x320  }
0x18d: {  	[sflag:s6] =	ssyncset.done $0x0  }
0x18e: {  	s2 =	rddreg [dreg:$0xa];
	[sflag:s6] =	ssyncadd.s32 $0xFFFFFCE0  }
0x18f: {  	[hbm:s2], [sflag:s0] =	dma.local @!p0 [spmem:s4], $0x320  }
0x190: {  	s0 =	simm.s32 @!p0 $0x2  }
0x191: {  	_ =	swait.ge @!p0 [sflag:s0], $0x320  }
0x192: {  	s25 =	sadd.s32 $0x1, s25;
	s31 =	rddreg [dreg:$0xb]  }
0x193: {  	p1 =	sne.s32 s25, s31  }
.Ltmp3:
0x194: {  	_ = 	snop;
	(pc) =	sbr.rel @p1 .LBB2_1-.Ltmp3, $3  }
0x195: {  	_ =	sdelay $0x1  }
0x196: {  	[sflag:s0] =	ssyncset.done @!p0 $0x0  }
0x197: {  	[sflag:s0] =	ssyncadd.s32 @!p0 $0xFFFFFCE0  }
0x198: {  	_ =	sfence.sel $0x180000  }
0x199: {  	[bflag:$0x0] =	sbarrier.arrive $0xFFFF  }
0x19a: {  	_ =	strace $0x90000047  }
0x19b: {  	s0 =	stileid.u32;
	[bflag:$0x2] =	sbarrier.arrive $0xFFFF  }
0x19c: {  	p0 =	sne.s32 s0, $0x0;
	s0 =	rddreg [dreg:$0x2]  }
0x19d: {  	s0 =	sadd.s32 @!p0 $0x100000, s0  }
0x19e: {  	[sflag:s0] =	ssyncadd.tile.s32 @!p0 $0x1;
	_ =	shalt  }
.Lfunc_end2:
_tile_overlayer_lowered:
.L_overlay_start_2:
0x19f: {  	(tag) =	ssettag $0x2  }
0x1a0: {  	s0 =	rddreg [dreg:$0x0];
	s2 =	stileid.u32  }
0x1a1: {  	s1 =	rddreg [dreg:$0x1];
	p0 =	sne.s32 s2, $0x0  }
0x1a2: {  	s3 =	rddreg [dreg:$0x2];
	[bflag:$0x3] =	sbarrier.arrive $0xFFFF;
	s2 =	simm.s32 @!p0 $0x1C02  }
0x1a3: {  	[timem:s3], [sflag:s2] =	dma.local @!p0 [hbm:s0], s1  }
0x1a4: {  	s0 =	simm.s32 @!p0 $0x2  }
0x1a5: {  	_ =	swait.ge @!p0 [sflag:s0], s1  }
0x1a6: {  	s1 =	ssub.s32 @!p0 $0x0, s1;
	[sflag:s0] =	ssyncset.done @!p0 $0x0  }
0x1a7: {  	[sflag:s0] =	ssyncadd.s32 @!p0 s1  }
0x1a8: {  	[bflag:$0x3] =	sbarrier.arrive $0xFFFF  }
0x1a9: {  	_ =	shalt  }

</sc_bundles>
